<compile_context>
chip_gen: v7x
topology: tpu7x:2x2x1
jax: 0.10.2.dev20260603
libtpu: 0.0.44.dev20260713+nightly
codegen_flags: <defaults>
</compile_context>

<pallas_src>
import functools

import jax
import jax.numpy as jnp
import numpy as np
from jax import lax
from jax.experimental import pallas as pl
from jax.experimental.pallas import tpu as pltpu
from jax.experimental.pallas import tpu_sc as plsc

N, B, K, DF, NH, NHEAD = 100000, 512, 20, 128, 128, 2
DM = 2 * NH
DK = DM // NHEAD
M2 = B * K
KP = 24


def _sc_gather(table, idx):
    NW, n_ch, CH = idx.shape
    D = table.shape[1]
    per_w = n_ch * CH
    T = NW * per_w
    info = plsc.get_sparse_core_info()
    NC = info.num_cores
    mesh = plsc.VectorSubcoreMesh(core_axis_name="c", subcore_axis_name="s")
    idx_flat = idx.reshape(T)

    @functools.partial(
        pl.kernel, mesh=mesh,
        out_type=jax.ShapeDtypeStruct((T, D), jnp.float32),
        scratch_types=[
            pltpu.VMEM((CH,), jnp.int32),
            pltpu.VMEM((CH, D), jnp.float32),
            pltpu.SemaphoreType.DMA,
        ],
    )
    def k(table_hbm, idx_hbm, out_hbm, idx_v, rows_v, sem):
        wid = lax.axis_index("s") * NC + lax.axis_index("c")
        base0 = wid * per_w

        def body(c, _):
            base = base0 + c * CH
            pltpu.sync_copy(idx_hbm.at[pl.ds(base, CH)], idx_v)
            pltpu.async_copy(table_hbm.at[idx_v], rows_v, sem).wait()
            pltpu.sync_copy(rows_v, out_hbm.at[pl.ds(base, CH)])
            return _

        lax.fori_loop(0, n_ch, body, None)

    return k(table, idx_flat)


def _fast_cos(x):
    t = x * (1.0 / (2.0 * np.pi))
    r = t - jnp.round(t)
    u = r * r
    poly = (3.1415925801461613
            + u * (-5.16770688438281
                   + u * (2.550031461491303
                          + u * (-0.5980456619394252
                                 + u * 0.07722107147153531))))
    s = r * poly
    return 1.0 - 2.0 * s * s


def _attn_math(src_conv, seq, dt3, nidx2, freq3, phase3,
               Wq, Wk, Wv, f1w, f1b, f2w, f2b, W_lin=None, b_lin=None):
    BM = src_conv.shape[0]
    tenc0 = jnp.cos(phase3[0])
    q = jnp.concatenate(
        [src_conv, jnp.broadcast_to(tenc0, (BM, NH))], axis=1)
    Q = jnp.dot(q, Wq, preferred_element_type=jnp.float32)
    tenc3 = _fast_cos(dt3 * freq3 + phase3)
    mask2 = nidx2 == 0
    kpad2 = lax.broadcasted_iota(jnp.int32, (BM, KP), 1) >= K
    scale = 1.0 / np.sqrt(DK)
    outs = []
    for h in range(NHEAD):
        Qh = Q[:, h * DK:(h + 1) * DK]
        Wkh = Wk[:, h * DK:(h + 1) * DK]
        Qt = lax.dot_general(Qh, Wkh, (((1,), (1,)), ((), ())),
                             preferred_element_type=jnp.float32)
        Qt_f, Qt_t = Qt[:, :NH], Qt[:, NH:]
        if W_lin is not None:
            Qr = lax.dot_general(Qt_f, W_lin, (((1,), (1,)), ((), ())),
                                 preferred_element_type=jnp.float32)
        else:
            Qr = Qt_f
        s2 = (jnp.sum(seq * Qr[:, None, :], axis=2)
              + jnp.sum(tenc3 * Qt_t[:, None, :], axis=2))
        s2 = jnp.where(mask2, -1e10, s2 * scale)
        s2 = jnp.where(kpad2, -jnp.inf, s2)
        smax = jnp.max(s2, axis=1, keepdims=True)
        e = jnp.exp(s2 - smax)
        a3 = (e / jnp.sum(e, axis=1, keepdims=True))[:, :, None]
        cr = jnp.sum(seq * a3, axis=1)
        ct = jnp.sum(tenc3 * a3, axis=1)
        Wvh = Wv[:, h * DK:(h + 1) * DK]
        if W_lin is not None:
            cr = jnp.dot(cr, W_lin,
                         preferred_element_type=jnp.float32) + b_lin
        oh = (jnp.dot(cr, Wvh[:NH, :], preferred_element_type=jnp.float32)
              + jnp.dot(ct, Wvh[NH:, :], preferred_element_type=jnp.float32))
        outs.append(oh)
    o = jnp.concatenate(outs, axis=1)
    x = jnp.concatenate([o, src_conv], axis=1)
    h1 = jax.nn.relu(jnp.dot(x, f1w, preferred_element_type=jnp.float32)
                     + f1b)
    return jnp.dot(h1, f2w, preferred_element_type=jnp.float32) + f2b


def _big_body(src_raw_ref, seq_ref, st_ref, nt_ref, nidx_ref,
              wlin_ref, blin_ref, freq_ref, phase_ref,
              wq_ref, wk_ref, wv_ref, f1w_ref, f1b_ref, f2w_ref, f2b_ref,
              out_ref):
    src_conv = (jnp.dot(src_raw_ref[...], wlin_ref[...],
                        preferred_element_type=jnp.float32)
                + blin_ref[...])
    dt3 = (st_ref[...] - nt_ref[...])[:, :, None]
    out_ref[...] = _attn_math(
        src_conv, seq_ref[...], dt3, nidx_ref[...],
        freq_ref[...], phase_ref[...],
        wq_ref[...], wk_ref[...], wv_ref[...],
        f1w_ref[...], f1b_ref[...], f2w_ref[...], f2b_ref[...],
        W_lin=wlin_ref[...], b_lin=blin_ref[...])


def _attn_big(src_raw, seq, src_t, nt, nidx, W_lin, b_lin2, freq3, phase3,
              Wq, Wk, Wv, f1w, f1b2, f2w, f2b2, bm):
    m = src_raw.shape[0]
    grid = (m // bm,)
    row = lambda i: (i, 0)
    row3 = lambda i: (i, 0, 0)
    fixed = lambda i: (0, 0)
    fixed3 = lambda i: (0, 0, 0)
    return pl.pallas_call(
        _big_body,
        grid=grid,
        in_specs=[
            pl.BlockSpec((bm, NH), row),
            pl.BlockSpec((bm, KP, NH), row3),
            pl.BlockSpec((bm, 1), row),
            pl.BlockSpec((bm, KP), row),
            pl.BlockSpec((bm, KP), row),
            pl.BlockSpec((DF, NH), fixed),
            pl.BlockSpec((1, NH), fixed),
            pl.BlockSpec((1, 1, NH), fixed3),
            pl.BlockSpec((1, 1, NH), fixed3),
            pl.BlockSpec((DM, DM), fixed),
            pl.BlockSpec((DM, DM), fixed),
            pl.BlockSpec((DM, DM), fixed),
            pl.BlockSpec((DM + NH, NH), fixed),
            pl.BlockSpec((1, NH), fixed),
            pl.BlockSpec((NH, NH), fixed),
            pl.BlockSpec((1, NH), fixed),
        ],
        out_specs=pl.BlockSpec((bm, NH), row),
        out_shape=jax.ShapeDtypeStruct((m, NH), jnp.float32),
    )(src_raw, seq, src_t, nt, nidx, W_lin, b_lin2, freq3, phase3,
      Wq, Wk, Wv, f1w, f1b2, f2w, f2b2)


def _small_body(src_raw_ref, seq1_ref, seq2_ref, ct_ref, nt_ref, nidx_ref,
                wlin_ref, blin_ref, freq_ref, phase_ref,
                wq0_ref, wk0_ref, wv0_ref, f1w0_ref, f1b0_ref, f2w0_ref,
                f2b0_ref,
                wq1_ref, wk1_ref, wv1_ref, f1w1_ref, f1b1_ref, f2w1_ref,
                f2b1_ref,
                out_ref):
    src_conv = (jnp.dot(src_raw_ref[...], wlin_ref[...],
                        preferred_element_type=jnp.float32)
                + blin_ref[...])
    dt3 = (ct_ref[...] - nt_ref[...])[:, :, None]
    freq3, phase3 = freq_ref[...], phase_ref[...]
    nidx2 = nidx_ref[...]
    src_l1 = _attn_math(
        src_conv, seq1_ref[...], dt3, nidx2, freq3, phase3,
        wq0_ref[...], wk0_ref[...], wv0_ref[...],
        f1w0_ref[...], f1b0_ref[...], f2w0_ref[...], f2b0_ref[...],
        W_lin=wlin_ref[...], b_lin=blin_ref[...])
    out_ref[...] = _attn_math(
        src_l1, seq2_ref[...], dt3, nidx2, freq3, phase3,
        wq1_ref[...], wk1_ref[...], wv1_ref[...],
        f1w1_ref[...], f1b1_ref[...], f2w1_ref[...], f2b1_ref[...])


def _attn_small(src_raw, seq1, seq2, cut_t, nt, nidx,
                W_lin, b_lin2, freq3, phase3, w0, w1, bm):
    m = src_raw.shape[0]
    grid = (m // bm,)
    row = lambda i: (i, 0)
    row3 = lambda i: (i, 0, 0)
    fixed = lambda i: (0, 0)
    fixed3 = lambda i: (0, 0, 0)
    wspecs = [
        pl.BlockSpec((DM, DM), fixed),
        pl.BlockSpec((DM, DM), fixed),
        pl.BlockSpec((DM, DM), fixed),
        pl.BlockSpec((DM + NH, NH), fixed),
        pl.BlockSpec((1, NH), fixed),
        pl.BlockSpec((NH, NH), fixed),
        pl.BlockSpec((1, NH), fixed),
    ]
    return pl.pallas_call(
        _small_body,
        grid=grid,
        in_specs=[
            pl.BlockSpec((bm, NH), row),
            pl.BlockSpec((bm, KP, NH), row3),
            pl.BlockSpec((bm, KP, NH), row3),
            pl.BlockSpec((bm, 1), row),
            pl.BlockSpec((bm, KP), row),
            pl.BlockSpec((bm, KP), row),
            pl.BlockSpec((DF, NH), fixed),
            pl.BlockSpec((1, NH), fixed),
            pl.BlockSpec((1, 1, NH), fixed3),
            pl.BlockSpec((1, 1, NH), fixed3),
        ] + wspecs + wspecs,
        out_specs=pl.BlockSpec((bm, NH), row),
        out_shape=jax.ShapeDtypeStruct((m, NH), jnp.float32),
    )(src_raw, seq1, seq2, cut_t, nt, nidx, W_lin, b_lin2, freq3, phase3,
      *w0, *w1)


def kernel(node_feat, src_idx, cut_time, ngh_idx_l1, ngh_t_l1, ngh_idx_l2,
           ngh_t_l2, W_lin, b_lin, freq, phase, a0_Wq, a0_Wk, a0_Wv,
           a0_fc1_w, a0_fc1_b, a0_fc2_w, a0_fc2_b, a1_Wq, a1_Wk, a1_Wv,
           a1_fc1_w, a1_fc1_b, a1_fc2_w, a1_fc2_b):
    idx24_l2 = jnp.pad(ngh_idx_l2.astype(jnp.int32).reshape(M2, K),
                       ((0, 0), (0, KP - K)), mode="edge")
    idx24_l1 = jnp.pad(ngh_idx_l1.astype(jnp.int32),
                       ((0, 0), (0, KP - K)), mode="edge")
    nt24_l2 = jnp.pad(ngh_t_l2, ((0, 0), (0, KP - K)))
    nt24_l1 = jnp.pad(ngh_t_l1, ((0, 0), (0, KP - K)))

    MH = M2 // 2
    idx_l1_flat = ngh_idx_l1.reshape(-1).astype(jnp.int32)
    idx_a = jnp.concatenate([
        idx24_l2[:MH].reshape(-1),
        idx_l1_flat,
        src_idx.astype(jnp.int32),
        idx_l1_flat[:1536],
    ]).reshape(32, -1, 128)
    idx_b = jnp.concatenate([
        idx24_l2[MH:].reshape(-1),
        idx24_l1.reshape(-1),
    ]).reshape(32, -1, 128)
    ga = _sc_gather(node_feat, idx_a)
    gb = _sc_gather(node_feat, idx_b)
    g_l2a = ga[:MH * KP].reshape(MH, KP, NH)
    g_l1 = ga[MH * KP:MH * KP + M2]
    g_src = ga[MH * KP + M2:MH * KP + M2 + B]
    g_l2b = gb[:MH * KP].reshape(MH, KP, NH)
    g_seq1 = gb[MH * KP:].reshape(B, KP, NH)

    b_lin2 = b_lin.reshape(1, NH)
    freq3 = freq.reshape(1, 1, NH)
    phase3 = phase.reshape(1, 1, NH)
    f1b0 = a0_fc1_b.reshape(1, NH)
    f2b0 = a0_fc2_b.reshape(1, NH)
    f1b1 = a1_fc1_b.reshape(1, NH)
    f2b1 = a1_fc2_b.reshape(1, NH)

    st2 = ngh_t_l1.reshape(M2, 1)
    ngh_l1_a = _attn_big(
        g_l1[:MH], g_l2a, st2[:MH], nt24_l2[:MH], idx24_l2[:MH],
        W_lin, b_lin2, freq3, phase3,
        a0_Wq, a0_Wk, a0_Wv, a0_fc1_w, f1b0, a0_fc2_w, f2b0, bm=256)
    ngh_l1_b = _attn_big(
        g_l1[MH:], g_l2b, st2[MH:], nt24_l2[MH:], idx24_l2[MH:],
        W_lin, b_lin2, freq3, phase3,
        a0_Wq, a0_Wk, a0_Wv, a0_fc1_w, f1b0, a0_fc2_w, f2b0, bm=256)
    ngh_l1 = jnp.concatenate([ngh_l1_a, ngh_l1_b], axis=0)

    seq2 = jnp.pad(ngh_l1.reshape(B, K, NH), ((0, 0), (0, KP - K), (0, 0)))
    w0 = (a0_Wq, a0_Wk, a0_Wv, a0_fc1_w, f1b0, a0_fc2_w, f2b0)
    w1 = (a1_Wq, a1_Wk, a1_Wv, a1_fc1_w, f1b1, a1_fc2_w, f2b1)
    out = _attn_small(
        g_src, g_seq1, seq2,
        cut_time.reshape(B, 1), nt24_l1, idx24_l1,
        W_lin, b_lin2, freq3, phase3, w0, w1, bm=128)
    return out

# --- scband reference (transcript-rebuilt; emitter-appended) ---
"""Pipeline reference for scband-tgan-64965675320012 (READ-ONLY COPY).

The authoritative reference and input builder live on the scoring server;
editing this copy changes nothing except your own understanding.
"""

import jax, jax.numpy as jnp
import numpy as np

N, B, K, DF, NH, NHEAD = 100000, 512, 20, 128, 128, 2
DM = 2 * NH

def _w(key, shape):
    return jax.random.normal(key, shape, dtype=jnp.float32) / np.sqrt(shape[0])

def setup_inputs(seed: int = 0):
    key = jax.random.key(seed)
    ks = jax.random.split(key, 32)
    inp = {}
    inp['node_feat'] = jax.random.normal(ks[0], (N, DF), dtype=jnp.float32)
    inp['src_idx'] = jax.random.randint(ks[1], (B,), 0, N)
    inp['cut_time'] = jax.random.uniform(ks[2], (B,), dtype=jnp.float32) * 100.0 + 100.0
    inp['ngh_idx_l1'] = jax.random.randint(ks[3], (B, K), 0, N)
    inp['ngh_t_l1'] = jax.random.uniform(ks[4], (B, K), dtype=jnp.float32) * 100.0
    inp['ngh_idx_l2'] = jax.random.randint(ks[5], (B * K, K), 0, N)
    inp['ngh_t_l2'] = jax.random.uniform(ks[6], (B * K, K), dtype=jnp.float32) * 50.0
    inp['W_lin'] = _w(ks[7], (DF, NH))
    inp['b_lin'] = jnp.zeros((NH,), dtype=jnp.float32)
    inp['freq'] = jnp.asarray(1.0 / 10.0 ** np.linspace(0, 9, NH), dtype=jnp.float32)
    inp['phase'] = jnp.zeros((NH,), dtype=jnp.float32)
    i = 8
    for l in range(2):
        inp['a%d_Wq' % l] = _w(ks[i], (DM, DM)); i += 1
        inp['a%d_Wk' % l] = _w(ks[i], (DM, DM)); i += 1
        inp['a%d_Wv' % l] = _w(ks[i], (DM, DM)); i += 1
        inp['a%d_fc1_w' % l] = _w(ks[i], (DM + NH, NH)); i += 1
        inp['a%d_fc1_b' % l] = jnp.zeros((NH,), dtype=jnp.float32)
        inp['a%d_fc2_w' % l] = _w(ks[i], (NH, NH)); i += 1
        inp['a%d_fc2_b' % l] = jnp.zeros((NH,), dtype=jnp.float32)
    return inp

def _attn(src, src_t, seq, seq_t, mask, Wq, Wk, Wv, f1w, f1b, f2w, f2b):
    q = jnp.concatenate([src, src_t], axis=-1)
    kv = jnp.concatenate([seq, seq_t], axis=-1)
    M, Kn, D = kv.shape
    dk = D // NHEAD
    Q = (q @ Wq).reshape(M, NHEAD, dk)
    Kh = (kv @ Wk).reshape(M, Kn, NHEAD, dk)
    Vh = (kv @ Wv).reshape(M, Kn, NHEAD, dk)
    s = jnp.einsum('mhd,mkhd->mhk', Q, Kh) / np.sqrt(dk)
    s = jnp.where(mask[:, None, :], -1e10, s)
    a = jax.nn.softmax(s, axis=-1)
    o = jnp.einsum('mhk,mkhd->mhd', a, Vh).reshape(M, D)
    x = jnp.concatenate([o, src], axis=-1)
    h = jax.nn.relu(x @ f1w + f1b)
    return h @ f2w + f2b

def reference(node_feat, src_idx, cut_time, ngh_idx_l1, ngh_t_l1, ngh_idx_l2, ngh_t_l2, W_lin, b_lin, freq, phase, a0_Wq, a0_Wk, a0_Wv, a0_fc1_w, a0_fc1_b, a0_fc2_w, a0_fc2_b, a1_Wq, a1_Wk, a1_Wv, a1_fc1_w, a1_fc1_b, a1_fc2_w, a1_fc2_b):
    def conv0(f):
        return f @ W_lin + b_lin
    def tenc(t):
        return jnp.cos(t[..., None] * freq + phase)
    def layer1(src_raw, src_t, nidx, nt):
        src_conv = conv0(src_raw)
        ngh_conv = conv0(jnp.take(node_feat, nidx, axis=0))
        dt = src_t[:, None] - nt
        return _attn(src_conv, tenc(jnp.zeros_like(src_t)), ngh_conv, tenc(dt), nidx == 0, a0_Wq, a0_Wk, a0_Wv, a0_fc1_w, a0_fc1_b, a0_fc2_w, a0_fc2_b)
    src_l1 = layer1(jnp.take(node_feat, src_idx, axis=0), cut_time, ngh_idx_l1, ngh_t_l1)
    ngh_l1 = layer1(jnp.take(node_feat, ngh_idx_l1.reshape(-1), axis=0), ngh_t_l1.reshape(-1), ngh_idx_l2, ngh_t_l2).reshape(B, K, NH)
    dt2 = cut_time[:, None] - ngh_t_l1
    return _attn(src_l1, tenc(jnp.zeros_like(cut_time)), ngh_l1, tenc(dt2), ngh_idx_l1 == 0, a1_Wq, a1_Wk, a1_Wv, a1_fc1_w, a1_fc1_b, a1_fc2_w, a1_fc2_b)

if __name__ == "__main__":
    import jax
    _d = setup_inputs()
    print(jax.jit(kernel)(*tuple(_d.values())))

</pallas_src>

<mosaic_0001>
#map = affine_map<(d0, d1) -> (0, 0)>
#map1 = affine_map<(d0, d1) -> (0)>
module attributes {stable_mosaic.version = 14 : i64} {
  func.func @k(%arg0: i32, %arg1: i32, %arg2: memref<100000x128xf32, #tpu.memory_space<hbm>>, %arg3: memref<135168xi32, #tpu.memory_space<hbm>>, %arg4: memref<135168x128xf32, #tpu.memory_space<hbm>>, %arg5: memref<128xi32, #tpu.memory_space<vmem>>, %arg6: memref<128x128xf32, #tpu.memory_space<vmem>>, %arg7: memref<!tpu.dma_semaphore, #tpu.memory_space<semaphore_mem>>) attributes {dimension_semantics = [#tpu.dimension_semantics<core_parallel>, #tpu.dimension_semantics<subcore_parallel>], iteration_bounds = array<i64: 2, 16>, scalar_prefetch = 0 : i64, scratch_operands = 3 : i64, tpu.core_type = #tpu.core_type<sc_vector_subcore>, window_params = [{transform_indices = #map}, {transform_indices = #map1}, {transform_indices = #map}]} {
    %mul3A = arith.constant 2 : i32
    %mul3A_0 = arith.muli %arg1, %mul3A : i32
    %add3A = arith.addi %mul3A_0, %arg0 : i32
    %mul3A_1 = arith.constant 4224 : i32
    %mul3A_2 = arith.muli %add3A, %mul3A_1 : i32
    %scan3A = arith.constant 0 : i32
    %scan3A_3 = arith.constant 33 : i32
    %scan3A_4 = arith.addi %scan3A, %scan3A_3 : i32
    %scan3A_5 = arith.constant 1 : i32
    scf.for %scan3A_7 = %scan3A to %scan3A_4 step %scan3A_5  : i32 {
      %mul3A_8 = arith.constant 128 : i32
      %mul3A_9 = arith.muli %scan3A_7, %mul3A_8 : i32
      %add3A_10 = arith.addi %mul3A_2, %mul3A_9 : i32
      "tpu.region"() ({
        %run_scoped3A = tpu.sem_alloc : memref<!tpu.dma_semaphore, #tpu.memory_space<semaphore_mem>>
        %dma_start3A_15 = tpu.memref_slice %arg3[%add3A_10] : memref<135168xi32, #tpu.memory_space<hbm>> -> memref<128xi32, #tpu.memory_space<hbm>>
        %dma_start3A_16 = tpu.memref_slice %arg3[%add3A_10] : memref<135168xi32, #tpu.memory_space<hbm>> -> memref<128xi32, #tpu.memory_space<hbm>>
        tpu.enqueue_dma source(%dma_start3A_16 : memref<128xi32, #tpu.memory_space<hbm>>) target(%arg5 : memref<128xi32, #tpu.memory_space<vmem>>) target_semaphore(%run_scoped3A : memref<!tpu.dma_semaphore, #tpu.memory_space<semaphore_mem>>)
        %dma_wait3A_17 = tpu.memref_slice %arg3[%add3A_10] : memref<135168xi32, #tpu.memory_space<hbm>> -> memref<128xi32, #tpu.memory_space<hbm>>
        %dma_wait3A_18 = tpu.memref_slice %arg3[%add3A_10] : memref<135168xi32, #tpu.memory_space<hbm>> -> memref<128xi32, #tpu.memory_space<hbm>>
        tpu.wait_dma2 semaphore(%run_scoped3A : memref<!tpu.dma_semaphore, #tpu.memory_space<semaphore_mem>>) src(%dma_wait3A_18 : memref<128xi32, #tpu.memory_space<hbm>>) dst(%arg5 : memref<128xi32, #tpu.memory_space<vmem>>)
        tpu.yield
      }) : () -> ()
      %dma_start3A = arith.constant 0 : i32
      %dma_start3A_11 = arith.constant 0 : i32
      %dma_start3A_12 = tpu.memref_slice %arg2[%dma_start3A, %dma_start3A_11] : memref<100000x128xf32, #tpu.memory_space<hbm>> -> memref<100000x128xf32, #tpu.memory_space<hbm>>
      tpu.enqueue_indirect_dma source(%dma_start3A_12 : memref<100000x128xf32, #tpu.memory_space<hbm>>) target(%arg6 : memref<128x128xf32, #tpu.memory_space<vmem>>) offsets(%arg5 : memref<128xi32, #tpu.memory_space<vmem>>) semaphore(%arg7 : memref<!tpu.dma_semaphore, #tpu.memory_space<semaphore_mem>>)
      %dma_wait3A = arith.constant 0 : i32
      %dma_wait3A_13 = arith.constant 0 : i32
      %dma_wait3A_14 = tpu.memref_slice %arg2[%dma_wait3A, %dma_wait3A_13] : memref<100000x128xf32, #tpu.memory_space<hbm>> -> memref<100000x128xf32, #tpu.memory_space<hbm>>
      tpu.wait_indirect_dma semaphore(%arg7 : memref<!tpu.dma_semaphore, #tpu.memory_space<semaphore_mem>>) src(%dma_wait3A_14 : memref<100000x128xf32, #tpu.memory_space<hbm>>) dst(%arg6 : memref<128x128xf32, #tpu.memory_space<vmem>>)
      "tpu.region"() ({
        %run_scoped3A = tpu.sem_alloc : memref<!tpu.dma_semaphore, #tpu.memory_space<semaphore_mem>>
        %dma_start3A_15 = arith.constant 0 : i32
        %dma_start3A_16 = tpu.memref_slice %arg4[%add3A_10, %dma_start3A_15] : memref<135168x128xf32, #tpu.memory_space<hbm>> -> memref<128x128xf32, #tpu.memory_space<hbm>>
        %dma_start3A_17 = arith.constant 0 : i32
        %dma_start3A_18 = tpu.memref_slice %arg4[%add3A_10, %dma_start3A_17] : memref<135168x128xf32, #tpu.memory_space<hbm>> -> memref<128x128xf32, #tpu.memory_space<hbm>>
        tpu.enqueue_dma source(%arg6 : memref<128x128xf32, #tpu.memory_space<vmem>>) target(%dma_start3A_18 : memref<128x128xf32, #tpu.memory_space<hbm>>) target_semaphore(%run_scoped3A : memref<!tpu.dma_semaphore, #tpu.memory_space<semaphore_mem>>)
        %dma_wait3A_19 = arith.constant 0 : i32
        %dma_wait3A_20 = tpu.memref_slice %arg4[%add3A_10, %dma_wait3A_19] : memref<135168x128xf32, #tpu.memory_space<hbm>> -> memref<128x128xf32, #tpu.memory_space<hbm>>
        %dma_wait3A_21 = arith.constant 0 : i32
        %dma_wait3A_22 = tpu.memref_slice %arg4[%add3A_10, %dma_wait3A_21] : memref<135168x128xf32, #tpu.memory_space<hbm>> -> memref<128x128xf32, #tpu.memory_space<hbm>>
        tpu.wait_dma2 semaphore(%run_scoped3A : memref<!tpu.dma_semaphore, #tpu.memory_space<semaphore_mem>>) src(%arg6 : memref<128x128xf32, #tpu.memory_space<vmem>>) dst(%dma_wait3A_22 : memref<128x128xf32, #tpu.memory_space<hbm>>)
        tpu.yield
      }) : () -> ()
    }
    %scan3A_6 = arith.constant 33 : i32
    return
  }
}

#map = affine_map<(d0, d1) -> (0, 0)>
#map1 = affine_map<(d0, d1) -> (0)>
module attributes {stable_mosaic.version = 14 : i64} {
  func.func @k(%arg0: i32, %arg1: i32, %arg2: memref<100000x128xf32, #tpu.memory_space<hbm>>, %arg3: memref<135168xi32, #tpu.memory_space<hbm>>, %arg4: memref<135168x128xf32, #tpu.memory_space<hbm>>, %arg5: memref<128xi32, #tpu.memory_space<vmem>>, %arg6: memref<128x128xf32, #tpu.memory_space<vmem>>, %arg7: memref<!tpu.dma_semaphore, #tpu.memory_space<semaphore_mem>>) attributes {dimension_semantics = [#tpu.dimension_semantics<core_parallel>, #tpu.dimension_semantics<subcore_parallel>], iteration_bounds = array<i64: 2, 16>, scalar_prefetch = 0 : i64, scratch_operands = 3 : i64, tpu.core_type = #tpu.core_type<sc_vector_subcore>, window_params = [{transform_indices = #map}, {transform_indices = #map1}, {transform_indices = #map}]} {
    %mul3A = arith.constant 2 : i32
    %mul3A_0 = arith.muli %arg1, %mul3A : i32
    %add3A = arith.addi %mul3A_0, %arg0 : i32
    %mul3A_1 = arith.constant 4224 : i32
    %mul3A_2 = arith.muli %add3A, %mul3A_1 : i32
    %scan3A = arith.constant 0 : i32
    %scan3A_3 = arith.constant 33 : i32
    %scan3A_4 = arith.addi %scan3A, %scan3A_3 : i32
    %scan3A_5 = arith.constant 1 : i32
    scf.for %scan3A_7 = %scan3A to %scan3A_4 step %scan3A_5  : i32 {
      %mul3A_8 = arith.constant 128 : i32
      %mul3A_9 = arith.muli %scan3A_7, %mul3A_8 : i32
      %add3A_10 = arith.addi %mul3A_2, %mul3A_9 : i32
      "tpu.region"() ({
        %run_scoped3A = tpu.sem_alloc : memref<!tpu.dma_semaphore, #tpu.memory_space<semaphore_mem>>
        %dma_start3A_15 = tpu.memref_slice %arg3[%add3A_10] : memref<135168xi32, #tpu.memory_space<hbm>> -> memref<128xi32, #tpu.memory_space<hbm>>
        %dma_start3A_16 = tpu.memref_slice %arg3[%add3A_10] : memref<135168xi32, #tpu.memory_space<hbm>> -> memref<128xi32, #tpu.memory_space<hbm>>
        tpu.enqueue_dma source(%dma_start3A_16 : memref<128xi32, #tpu.memory_space<hbm>>) target(%arg5 : memref<128xi32, #tpu.memory_space<vmem>>) target_semaphore(%run_scoped3A : memref<!tpu.dma_semaphore, #tpu.memory_space<semaphore_mem>>)
        %dma_wait3A_17 = tpu.memref_slice %arg3[%add3A_10] : memref<135168xi32, #tpu.memory_space<hbm>> -> memref<128xi32, #tpu.memory_space<hbm>>
        %dma_wait3A_18 = tpu.memref_slice %arg3[%add3A_10] : memref<135168xi32, #tpu.memory_space<hbm>> -> memref<128xi32, #tpu.memory_space<hbm>>
        tpu.wait_dma2 semaphore(%run_scoped3A : memref<!tpu.dma_semaphore, #tpu.memory_space<semaphore_mem>>) src(%dma_wait3A_18 : memref<128xi32, #tpu.memory_space<hbm>>) dst(%arg5 : memref<128xi32, #tpu.memory_space<vmem>>)
        tpu.yield
      }) : () -> ()
      %dma_start3A = arith.constant 0 : i32
      %dma_start3A_11 = arith.constant 0 : i32
      %dma_start3A_12 = tpu.memref_slice %arg2[%dma_start3A, %dma_start3A_11] : memref<100000x128xf32, #tpu.memory_space<hbm>> -> memref<100000x128xf32, #tpu.memory_space<hbm>>
      tpu.enqueue_indirect_dma source(%dma_start3A_12 : memref<100000x128xf32, #tpu.memory_space<hbm>>) target(%arg6 : memref<128x128xf32, #tpu.memory_space<vmem>>) offsets(%arg5 : memref<128xi32, #tpu.memory_space<vmem>>) semaphore(%arg7 : memref<!tpu.dma_semaphore, #tpu.memory_space<semaphore_mem>>)
      %dma_wait3A = arith.constant 0 : i32
      %dma_wait3A_13 = arith.constant 0 : i32
      %dma_wait3A_14 = tpu.memref_slice %arg2[%dma_wait3A, %dma_wait3A_13] : memref<100000x128xf32, #tpu.memory_space<hbm>> -> memref<100000x128xf32, #tpu.memory_space<hbm>>
      tpu.wait_indirect_dma semaphore(%arg7 : memref<!tpu.dma_semaphore, #tpu.memory_space<semaphore_mem>>) src(%dma_wait3A_14 : memref<100000x128xf32, #tpu.memory_space<hbm>>) dst(%arg6 : memref<128x128xf32, #tpu.memory_space<vmem>>)
      "tpu.region"() ({
        %run_scoped3A = tpu.sem_alloc : memref<!tpu.dma_semaphore, #tpu.memory_space<semaphore_mem>>
        %dma_start3A_15 = arith.constant 0 : i32
        %dma_start3A_16 = tpu.memref_slice %arg4[%add3A_10, %dma_start3A_15] : memref<135168x128xf32, #tpu.memory_space<hbm>> -> memref<128x128xf32, #tpu.memory_space<hbm>>
        %dma_start3A_17 = arith.constant 0 : i32
        %dma_start3A_18 = tpu.memref_slice %arg4[%add3A_10, %dma_start3A_17] : memref<135168x128xf32, #tpu.memory_space<hbm>> -> memref<128x128xf32, #tpu.memory_space<hbm>>
        tpu.enqueue_dma source(%arg6 : memref<128x128xf32, #tpu.memory_space<vmem>>) target(%dma_start3A_18 : memref<128x128xf32, #tpu.memory_space<hbm>>) target_semaphore(%run_scoped3A : memref<!tpu.dma_semaphore, #tpu.memory_space<semaphore_mem>>)
        %dma_wait3A_19 = arith.constant 0 : i32
        %dma_wait3A_20 = tpu.memref_slice %arg4[%add3A_10, %dma_wait3A_19] : memref<135168x128xf32, #tpu.memory_space<hbm>> -> memref<128x128xf32, #tpu.memory_space<hbm>>
        %dma_wait3A_21 = arith.constant 0 : i32
        %dma_wait3A_22 = tpu.memref_slice %arg4[%add3A_10, %dma_wait3A_21] : memref<135168x128xf32, #tpu.memory_space<hbm>> -> memref<128x128xf32, #tpu.memory_space<hbm>>
        tpu.wait_dma2 semaphore(%run_scoped3A : memref<!tpu.dma_semaphore, #tpu.memory_space<semaphore_mem>>) src(%arg6 : memref<128x128xf32, #tpu.memory_space<vmem>>) dst(%dma_wait3A_22 : memref<128x128xf32, #tpu.memory_space<hbm>>)
        tpu.yield
      }) : () -> ()
    }
    %scan3A_6 = arith.constant 33 : i32
    return
  }
}

module attributes {stable_mosaic.version = 14 : i64} {
  func.func @_big_body(%arg0: i32, %arg1: memref<256x128xf32, #tpu.memory_space<vmem>>, %arg2: memref<256x24x128xf32, #tpu.memory_space<vmem>>, %arg3: memref<256x1xf32, #tpu.memory_space<vmem>>, %arg4: memref<256x24xf32, #tpu.memory_space<vmem>>, %arg5: memref<256x24xi32, #tpu.memory_space<vmem>>, %arg6: memref<128x128xf32, #tpu.memory_space<vmem>>, %arg7: memref<1x128xf32, #tpu.memory_space<vmem>>, %arg8: memref<1x1x128xf32, #tpu.memory_space<vmem>>, %arg9: memref<1x1x128xf32, #tpu.memory_space<vmem>>, %arg10: memref<256x256xf32, #tpu.memory_space<vmem>>, %arg11: memref<256x256xf32, #tpu.memory_space<vmem>>, %arg12: memref<256x256xf32, #tpu.memory_space<vmem>>, %arg13: memref<384x128xf32, #tpu.memory_space<vmem>>, %arg14: memref<1x128xf32, #tpu.memory_space<vmem>>, %arg15: memref<128x128xf32, #tpu.memory_space<vmem>>, %arg16: memref<1x128xf32, #tpu.memory_space<vmem>>, %arg17: memref<256x128xf32, #tpu.memory_space<vmem>>) attributes {dimension_semantics = [#tpu.dimension_semantics<arbitrary>], iteration_bounds = array<i64: 20>, scalar_prefetch = 0 : i64, scratch_operands = 0 : i64, tpu.core_type = #tpu.core_type<tc>, window_params = [{transform_indices = @transform_0, window_bounds = array<i64: 256, 128>}, {transform_indices = @transform_1, window_bounds = array<i64: 256, 24, 128>}, {transform_indices = @transform_2, window_bounds = array<i64: 256, 1>}, {transform_indices = @transform_3, window_bounds = array<i64: 256, 24>}, {transform_indices = @transform_4, window_bounds = array<i64: 256, 24>}, {pipeline_mode = #tpu.pipeline_mode<synchronous>, transform_indices = @transform_5, window_bounds = array<i64: 128, 128>}, {pipeline_mode = #tpu.pipeline_mode<synchronous>, transform_indices = @transform_6, window_bounds = array<i64: 1, 128>}, {pipeline_mode = #tpu.pipeline_mode<synchronous>, transform_indices = @transform_7, window_bounds = array<i64: 1, 1, 128>}, {pipeline_mode = #tpu.pipeline_mode<synchronous>, transform_indices = @transform_8, window_bounds = array<i64: 1, 1, 128>}, {pipeline_mode = #tpu.pipeline_mode<synchronous>, transform_indices = @transform_9, window_bounds = array<i64: 256, 256>}, {pipeline_mode = #tpu.pipeline_mode<synchronous>, transform_indices = @transform_10, window_bounds = array<i64: 256, 256>}, {pipeline_mode = #tpu.pipeline_mode<synchronous>, transform_indices = @transform_11, window_bounds = array<i64: 256, 256>}, {pipeline_mode = #tpu.pipeline_mode<synchronous>, transform_indices = @transform_12, window_bounds = array<i64: 384, 128>}, {pipeline_mode = #tpu.pipeline_mode<synchronous>, transform_indices = @transform_13, window_bounds = array<i64: 1, 128>}, {pipeline_mode = #tpu.pipeline_mode<synchronous>, transform_indices = @transform_14, window_bounds = array<i64: 128, 128>}, {pipeline_mode = #tpu.pipeline_mode<synchronous>, transform_indices = @transform_15, window_bounds = array<i64: 1, 128>}, {transform_indices = @transform_16, window_bounds = array<i64: 256, 128>}]} {
    %get3A = arith.constant 0 : index
    %get3A_0 = arith.constant 0 : index
    %get3A_1 = vector.load %arg1[%get3A, %get3A_0] : memref<256x128xf32, #tpu.memory_space<vmem>>, vector<256x128xf32>
    %get3A_2 = arith.constant 0 : index
    %get3A_3 = arith.constant 0 : index
    %get3A_4 = vector.load %arg6[%get3A_2, %get3A_3] : memref<128x128xf32, #tpu.memory_space<vmem>>, vector<128x128xf32>
    %dot_general3A = arith.constant dense<0.000000e+00> : vector<256x128xf32>
    %dot_general3A_5 = tpu.matmul %get3A_1, %get3A_4, %dot_general3A {dimension_numbers = #tpu.dot_dimension_numbers<[1], [0], [0], [1], [0, 0, 1, 1], [], []>, transpose_lhs_hint = false} : vector<256x128xf32>, vector<128x128xf32>, vector<256x128xf32> -> vector<256x128xf32>
    %get3A_6 = arith.constant 0 : index
    %get3A_7 = arith.constant 0 : index
    %get3A_8 = vector.load %arg7[%get3A_6, %get3A_7] : memref<1x128xf32, #tpu.memory_space<vmem>>, vector<1x128xf32>
    %add3A = vector.broadcast %get3A_8 : vector<1x128xf32> to vector<256x128xf32>
    %add3A_9 = arith.addf %dot_general3A_5, %add3A : vector<256x128xf32>
    %get3A_10 = arith.constant 0 : index
    %get3A_11 = arith.constant 0 : index
    %get3A_12 = vector.load %arg3[%get3A_10, %get3A_11] : memref<256x1xf32, #tpu.memory_space<vmem>>, vector<256x1xf32>
    %get3A_13 = arith.constant 0 : index
    %get3A_14 = arith.constant 0 : index
    %get3A_15 = vector.load %arg4[%get3A_13, %get3A_14] : memref<256x24xf32, #tpu.memory_space<vmem>>, vector<256x24xf32>
    %sub3A = vector.broadcast %get3A_12 : vector<256x1xf32> to vector<256x24xf32>
    %sub3A_16 = arith.subf %sub3A, %get3A_15 : vector<256x24xf32>
    %broadcast_in_dim3A = vector.shape_cast %sub3A_16 : vector<256x24xf32> to vector<256x24x1xf32>
    %get3A_17 = arith.constant 0 : index
    %get3A_18 = arith.constant 0 : index
    %get3A_19 = arith.constant 0 : index
    %get3A_20 = vector.load %arg2[%get3A_17, %get3A_18, %get3A_19] : memref<256x24x128xf32, #tpu.memory_space<vmem>>, vector<256x24x128xf32>
    %get3A_21 = arith.constant 0 : index
    %get3A_22 = arith.constant 0 : index
    %get3A_23 = vector.load %arg5[%get3A_21, %get3A_22] : memref<256x24xi32, #tpu.memory_space<vmem>>, vector<256x24xi32>
    %get3A_24 = arith.constant 0 : index
    %get3A_25 = arith.constant 0 : index
    %get3A_26 = arith.constant 0 : index
    %get3A_27 = vector.load %arg8[%get3A_24, %get3A_25, %get3A_26] : memref<1x1x128xf32, #tpu.memory_space<vmem>>, vector<1x1x128xf32>
    %get3A_28 = arith.constant 0 : index
    %get3A_29 = arith.constant 0 : index
    %get3A_30 = arith.constant 0 : index
    %get3A_31 = vector.load %arg9[%get3A_28, %get3A_29, %get3A_30] : memref<1x1x128xf32, #tpu.memory_space<vmem>>, vector<1x1x128xf32>
    %get3A_32 = arith.constant 0 : index
    %get3A_33 = arith.constant 0 : index
    %get3A_34 = vector.load %arg10[%get3A_32, %get3A_33] : memref<256x256xf32, #tpu.memory_space<vmem>>, vector<256x256xf32>
    %get3A_35 = arith.constant 0 : index
    %get3A_36 = arith.constant 0 : index
    %get3A_37 = vector.load %arg11[%get3A_35, %get3A_36] : memref<256x256xf32, #tpu.memory_space<vmem>>, vector<256x256xf32>
    %get3A_38 = arith.constant 0 : index
    %get3A_39 = arith.constant 0 : index
    %get3A_40 = vector.load %arg12[%get3A_38, %get3A_39] : memref<256x256xf32, #tpu.memory_space<vmem>>, vector<256x256xf32>
    %get3A_41 = arith.constant 0 : index
    %get3A_42 = arith.constant 0 : index
    %get3A_43 = vector.load %arg13[%get3A_41, %get3A_42] : memref<384x128xf32, #tpu.memory_space<vmem>>, vector<384x128xf32>
    %get3A_44 = arith.constant 0 : index
    %get3A_45 = arith.constant 0 : index
    %get3A_46 = vector.load %arg14[%get3A_44, %get3A_45] : memref<1x128xf32, #tpu.memory_space<vmem>>, vector<1x128xf32>
    %get3A_47 = arith.constant 0 : index
    %get3A_48 = arith.constant 0 : index
    %get3A_49 = vector.load %arg15[%get3A_47, %get3A_48] : memref<128x128xf32, #tpu.memory_space<vmem>>, vector<128x128xf32>
    %get3A_50 = arith.constant 0 : index
    %get3A_51 = arith.constant 0 : index
    %get3A_52 = vector.load %arg16[%get3A_50, %get3A_51] : memref<1x128xf32, #tpu.memory_space<vmem>>, vector<1x128xf32>
    %get3A_53 = arith.constant 0 : index
    %get3A_54 = arith.constant 0 : index
    %get3A_55 = vector.load %arg6[%get3A_53, %get3A_54] : memref<128x128xf32, #tpu.memory_space<vmem>>, vector<128x128xf32>
    %get3A_56 = arith.constant 0 : index
    %get3A_57 = arith.constant 0 : index
    %get3A_58 = vector.load %arg7[%get3A_56, %get3A_57] : memref<1x128xf32, #tpu.memory_space<vmem>>, vector<1x128xf32>
    %squeeze3A = vector.shape_cast %get3A_31 : vector<1x1x128xf32> to vector<1x128xf32>
    %cos3A = math.cos %squeeze3A : vector<1x128xf32>
    %broadcast_in_dim3A_59 = vector.shape_cast %cos3A : vector<1x128xf32> to vector<1x128xf32>
    %broadcast_in_dim3A_60 = vector.broadcast %broadcast_in_dim3A_59 : vector<1x128xf32> to vector<256x128xf32>
    %concatenate3A = tpu.concatenate %add3A_9, %broadcast_in_dim3A_60 in 1 : vector<256x128xf32>, vector<256x128xf32> -> vector<256x256xf32>
    %dot_general3A_61 = arith.constant dense<0.000000e+00> : vector<256x256xf32>
    %dot_general3A_62 = tpu.matmul %concatenate3A, %get3A_34, %dot_general3A_61 {dimension_numbers = #tpu.dot_dimension_numbers<[1], [0], [0], [1], [0, 0, 1, 1], [], []>, transpose_lhs_hint = false} : vector<256x256xf32>, vector<256x256xf32>, vector<256x256xf32> -> vector<256x256xf32>
    %mul3A = vector.broadcast %broadcast_in_dim3A : vector<256x24x1xf32> to vector<256x24x128xf32>
    %mul3A_63 = vector.broadcast %get3A_27 : vector<1x1x128xf32> to vector<256x24x128xf32>
    %mul3A_64 = arith.mulf %mul3A, %mul3A_63 : vector<256x24x128xf32>
    %add3A_65 = vector.broadcast %get3A_31 : vector<1x1x128xf32> to vector<256x24x128xf32>
    %add3A_66 = arith.addf %mul3A_64, %add3A_65 : vector<256x24x128xf32>
    %mul3A_67 = arith.constant 0.159154937 : f32
    %mul3A_68 = vector.broadcast %mul3A_67 : f32 to vector<256x24x128xf32>
    %mul3A_69 = arith.mulf %add3A_66, %mul3A_68 : vector<256x24x128xf32>
    %round3A = math.roundeven %mul3A_69 : vector<256x24x128xf32>
    %sub3A_70 = arith.subf %mul3A_69, %round3A : vector<256x24x128xf32>
    %mul3A_71 = arith.mulf %sub3A_70, %sub3A_70 : vector<256x24x128xf32>
    %mul3A_72 = arith.constant 0.0772210732 : f32
    %mul3A_73 = vector.broadcast %mul3A_72 : f32 to vector<256x24x128xf32>
    %mul3A_74 = arith.mulf %mul3A_71, %mul3A_73 : vector<256x24x128xf32>
    %add3A_75 = arith.constant -0.598045647 : f32
    %add3A_76 = vector.broadcast %add3A_75 : f32 to vector<256x24x128xf32>
    %add3A_77 = arith.addf %add3A_76, %mul3A_74 : vector<256x24x128xf32>
    %mul3A_78 = arith.mulf %mul3A_71, %add3A_77 : vector<256x24x128xf32>
    %add3A_79 = arith.constant 2.55003142 : f32
    %add3A_80 = vector.broadcast %add3A_79 : f32 to vector<256x24x128xf32>
    %add3A_81 = arith.addf %add3A_80, %mul3A_78 : vector<256x24x128xf32>
    %mul3A_82 = arith.mulf %mul3A_71, %add3A_81 : vector<256x24x128xf32>
    %add3A_83 = arith.constant -5.16770697 : f32
    %add3A_84 = vector.broadcast %add3A_83 : f32 to vector<256x24x128xf32>
    %add3A_85 = arith.addf %add3A_84, %mul3A_82 : vector<256x24x128xf32>
    %mul3A_86 = arith.mulf %mul3A_71, %add3A_85 : vector<256x24x128xf32>
    %add3A_87 = arith.constant 3.1415925 : f32
    %add3A_88 = vector.broadcast %add3A_87 : f32 to vector<256x24x128xf32>
    %add3A_89 = arith.addf %add3A_88, %mul3A_86 : vector<256x24x128xf32>
    %mul3A_90 = arith.mulf %sub3A_70, %add3A_89 : vector<256x24x128xf32>
    %mul3A_91 = arith.constant 2.000000e+00 : f32
    %mul3A_92 = vector.broadcast %mul3A_91 : f32 to vector<256x24x128xf32>
    %mul3A_93 = arith.mulf %mul3A_92, %mul3A_90 : vector<256x24x128xf32>
    %mul3A_94 = arith.mulf %mul3A_93, %mul3A_90 : vector<256x24x128xf32>
    %sub3A_95 = arith.constant 1.000000e+00 : f32
    %sub3A_96 = vector.broadcast %sub3A_95 : f32 to vector<256x24x128xf32>
    %sub3A_97 = arith.subf %sub3A_96, %mul3A_94 : vector<256x24x128xf32>
    %eq3A = arith.constant 0 : i32
    %eq3A_98 = vector.broadcast %eq3A : i32 to vector<256x24xi32>
    %eq3A_99 = arith.cmpi eq, %get3A_23, %eq3A_98 : vector<256x24xi32>
    %iota3A = tpu.iota {dimensions = array<i32: 1>} : vector<256x24xi32>
    %ge3A = arith.constant 20 : i32
    %ge3A_100 = vector.broadcast %ge3A : i32 to vector<256x24xi32>
    %ge3A_101 = arith.cmpi sge, %iota3A, %ge3A_100 : vector<256x24xi32>
    %slice3A = vector.extract_strided_slice %dot_general3A_62 {offsets = [0, 0], sizes = [256, 128], strides = [1, 1]} : vector<256x256xf32> to vector<256x128xf32>
    %slice3A_102 = vector.extract_strided_slice %get3A_37 {offsets = [0, 0], sizes = [256, 128], strides = [1, 1]} : vector<256x256xf32> to vector<256x128xf32>
    %dot_general3A_103 = arith.constant dense<0.000000e+00> : vector<256x256xf32>
    %dot_general3A_104 = tpu.matmul %slice3A, %slice3A_102, %dot_general3A_103 {dimension_numbers = #tpu.dot_dimension_numbers<[1], [1], [0], [0], [0, 0, 1, 0], [], []>, transpose_lhs_hint = false} : vector<256x128xf32>, vector<256x128xf32>, vector<256x256xf32> -> vector<256x256xf32>
    %slice3A_105 = vector.extract_strided_slice %dot_general3A_104 {offsets = [0, 0], sizes = [256, 128], strides = [1, 1]} : vector<256x256xf32> to vector<256x128xf32>
    %slice3A_106 = vector.extract_strided_slice %dot_general3A_104 {offsets = [0, 128], sizes = [256, 128], strides = [1, 1]} : vector<256x256xf32> to vector<256x128xf32>
    %dot_general3A_107 = arith.constant dense<0.000000e+00> : vector<256x128xf32>
    %dot_general3A_108 = tpu.matmul %slice3A_105, %get3A_55, %dot_general3A_107 {dimension_numbers = #tpu.dot_dimension_numbers<[1], [1], [0], [0], [0, 0, 1, 0], [], []>, transpose_lhs_hint = false} : vector<256x128xf32>, vector<128x128xf32>, vector<256x128xf32> -> vector<256x128xf32>
    %broadcast_in_dim3A_109 = vector.shape_cast %dot_general3A_108 : vector<256x128xf32> to vector<256x1x128xf32>
    %mul3A_110 = vector.broadcast %broadcast_in_dim3A_109 : vector<256x1x128xf32> to vector<256x24x128xf32>
    %mul3A_111 = arith.mulf %get3A_20, %mul3A_110 : vector<256x24x128xf32>
    %reduce_sum3A = arith.constant dense<0.000000e+00> : vector<256x24xf32>
    %reduce_sum3A_112 = vector.multi_reduction <add>, %mul3A_111, %reduce_sum3A [2] : vector<256x24x128xf32> to vector<256x24xf32>
    %broadcast_in_dim3A_113 = vector.shape_cast %slice3A_106 : vector<256x128xf32> to vector<256x1x128xf32>
    %mul3A_114 = vector.broadcast %broadcast_in_dim3A_113 : vector<256x1x128xf32> to vector<256x24x128xf32>
    %mul3A_115 = arith.mulf %sub3A_97, %mul3A_114 : vector<256x24x128xf32>
    %reduce_sum3A_116 = arith.constant dense<0.000000e+00> : vector<256x24xf32>
    %reduce_sum3A_117 = vector.multi_reduction <add>, %mul3A_115, %reduce_sum3A_116 [2] : vector<256x24x128xf32> to vector<256x24xf32>
    %add3A_118 = arith.addf %reduce_sum3A_112, %reduce_sum3A_117 : vector<256x24xf32>
    %mul3A_119 = arith.constant 0.0883883461 : f32
    %mul3A_120 = vector.broadcast %mul3A_119 : f32 to vector<256x24xf32>
    %mul3A_121 = arith.mulf %add3A_118, %mul3A_120 : vector<256x24xf32>
    %jit3A = arith.constant -1.000000e+10 : f32
    %broadcast_in_dim3A_122 = vector.broadcast %jit3A : f32 to vector<256x24xf32>
    %select_n3A = arith.select %eq3A_99, %broadcast_in_dim3A_122, %mul3A_121 : vector<256x24xi1>, vector<256x24xf32>
    %jit3A_123 = arith.constant 0xFF800000 : f32
    %broadcast_in_dim3A_124 = vector.broadcast %jit3A_123 : f32 to vector<256x24xf32>
    %select_n3A_125 = arith.select %ge3A_101, %broadcast_in_dim3A_124, %select_n3A : vector<256x24xi1>, vector<256x24xf32>
    %reduce_max3A = arith.constant dense<0xFF800000> : vector<256xf32>
    %reduce_max3A_126 = vector.multi_reduction <maximumf>, %select_n3A_125, %reduce_max3A [1] : vector<256x24xf32> to vector<256xf32>
    %broadcast_in_dim3A_127 = vector.shape_cast %reduce_max3A_126 : vector<256xf32> to vector<256x1xf32>
    %sub3A_128 = vector.broadcast %broadcast_in_dim3A_127 : vector<256x1xf32> to vector<256x24xf32>
    %sub3A_129 = arith.subf %select_n3A_125, %sub3A_128 : vector<256x24xf32>
    %exp3A = math.exp %sub3A_129 : vector<256x24xf32>
    %reduce_sum3A_130 = arith.constant dense<0.000000e+00> : vector<256xf32>
    %reduce_sum3A_131 = vector.multi_reduction <add>, %exp3A, %reduce_sum3A_130 [1] : vector<256x24xf32> to vector<256xf32>
    %broadcast_in_dim3A_132 = vector.shape_cast %reduce_sum3A_131 : vector<256xf32> to vector<256x1xf32>
    %div3A = vector.broadcast %broadcast_in_dim3A_132 : vector<256x1xf32> to vector<256x24xf32>
    %div3A_133 = arith.divf %exp3A, %div3A : vector<256x24xf32>
    %broadcast_in_dim3A_134 = vector.shape_cast %div3A_133 : vector<256x24xf32> to vector<256x24x1xf32>
    %mul3A_135 = vector.broadcast %broadcast_in_dim3A_134 : vector<256x24x1xf32> to vector<256x24x128xf32>
    %mul3A_136 = arith.mulf %get3A_20, %mul3A_135 : vector<256x24x128xf32>
    %reduce_sum3A_137 = arith.constant dense<0.000000e+00> : vector<256x128xf32>
    %reduce_sum3A_138 = vector.multi_reduction <add>, %mul3A_136, %reduce_sum3A_137 [1] : vector<256x24x128xf32> to vector<256x128xf32>
    %mul3A_139 = vector.broadcast %broadcast_in_dim3A_134 : vector<256x24x1xf32> to vector<256x24x128xf32>
    %mul3A_140 = arith.mulf %sub3A_97, %mul3A_139 : vector<256x24x128xf32>
    %reduce_sum3A_141 = arith.constant dense<0.000000e+00> : vector<256x128xf32>
    %reduce_sum3A_142 = vector.multi_reduction <add>, %mul3A_140, %reduce_sum3A_141 [1] : vector<256x24x128xf32> to vector<256x128xf32>
    %slice3A_143 = vector.extract_strided_slice %get3A_40 {offsets = [0, 0], sizes = [256, 128], strides = [1, 1]} : vector<256x256xf32> to vector<256x128xf32>
    %dot_general3A_144 = arith.constant dense<0.000000e+00> : vector<256x128xf32>
    %dot_general3A_145 = tpu.matmul %reduce_sum3A_138, %get3A_55, %dot_general3A_144 {dimension_numbers = #tpu.dot_dimension_numbers<[1], [0], [0], [1], [0, 0, 1, 1], [], []>, transpose_lhs_hint = false} : vector<256x128xf32>, vector<128x128xf32>, vector<256x128xf32> -> vector<256x128xf32>
    %add3A_146 = vector.broadcast %get3A_58 : vector<1x128xf32> to vector<256x128xf32>
    %add3A_147 = arith.addf %dot_general3A_145, %add3A_146 : vector<256x128xf32>
    %slice3A_148 = vector.extract_strided_slice %slice3A_143 {offsets = [0, 0], sizes = [128, 128], strides = [1, 1]} : vector<256x128xf32> to vector<128x128xf32>
    %dot_general3A_149 = arith.constant dense<0.000000e+00> : vector<256x128xf32>
    %dot_general3A_150 = tpu.matmul %add3A_147, %slice3A_148, %dot_general3A_149 {dimension_numbers = #tpu.dot_dimension_numbers<[1], [0], [0], [1], [0, 0, 1, 1], [], []>, transpose_lhs_hint = false} : vector<256x128xf32>, vector<128x128xf32>, vector<256x128xf32> -> vector<256x128xf32>
    %slice3A_151 = vector.extract_strided_slice %slice3A_143 {offsets = [128, 0], sizes = [128, 128], strides = [1, 1]} : vector<256x128xf32> to vector<128x128xf32>
    %dot_general3A_152 = arith.constant dense<0.000000e+00> : vector<256x128xf32>
    %dot_general3A_153 = tpu.matmul %reduce_sum3A_142, %slice3A_151, %dot_general3A_152 {dimension_numbers = #tpu.dot_dimension_numbers<[1], [0], [0], [1], [0, 0, 1, 1], [], []>, transpose_lhs_hint = false} : vector<256x128xf32>, vector<128x128xf32>, vector<256x128xf32> -> vector<256x128xf32>
    %add3A_154 = arith.addf %dot_general3A_150, %dot_general3A_153 : vector<256x128xf32>
    %slice3A_155 = vector.extract_strided_slice %dot_general3A_62 {offsets = [0, 128], sizes = [256, 128], strides = [1, 1]} : vector<256x256xf32> to vector<256x128xf32>
    %slice3A_156 = vector.extract_strided_slice %get3A_37 {offsets = [0, 128], sizes = [256, 128], strides = [1, 1]} : vector<256x256xf32> to vector<256x128xf32>
    %dot_general3A_157 = arith.constant dense<0.000000e+00> : vector<256x256xf32>
    %dot_general3A_158 = tpu.matmul %slice3A_155, %slice3A_156, %dot_general3A_157 {dimension_numbers = #tpu.dot_dimension_numbers<[1], [1], [0], [0], [0, 0, 1, 0], [], []>, transpose_lhs_hint = false} : vector<256x128xf32>, vector<256x128xf32>, vector<256x256xf32> -> vector<256x256xf32>
    %slice3A_159 = vector.extract_strided_slice %dot_general3A_158 {offsets = [0, 0], sizes = [256, 128], strides = [1, 1]} : vector<256x256xf32> to vector<256x128xf32>
    %slice3A_160 = vector.extract_strided_slice %dot_general3A_158 {offsets = [0, 128], sizes = [256, 128], strides = [1, 1]} : vector<256x256xf32> to vector<256x128xf32>
    %dot_general3A_161 = arith.constant dense<0.000000e+00> : vector<256x128xf32>
    %dot_general3A_162 = tpu.matmul %slice3A_159, %get3A_55, %dot_general3A_161 {dimension_numbers = #tpu.dot_dimension_numbers<[1], [1], [0], [0], [0, 0, 1, 0], [], []>, transpose_lhs_hint = false} : vector<256x128xf32>, vector<128x128xf32>, vector<256x128xf32> -> vector<256x128xf32>
    %broadcast_in_dim3A_163 = vector.shape_cast %dot_general3A_162 : vector<256x128xf32> to vector<256x1x128xf32>
    %mul3A_164 = vector.broadcast %broadcast_in_dim3A_163 : vector<256x1x128xf32> to vector<256x24x128xf32>
    %mul3A_165 = arith.mulf %get3A_20, %mul3A_164 : vector<256x24x128xf32>
    %reduce_sum3A_166 = arith.constant dense<0.000000e+00> : vector<256x24xf32>
    %reduce_sum3A_167 = vector.multi_reduction <add>, %mul3A_165, %reduce_sum3A_166 [2] : vector<256x24x128xf32> to vector<256x24xf32>
    %broadcast_in_dim3A_168 = vector.shape_cast %slice3A_160 : vector<256x128xf32> to vector<256x1x128xf32>
    %mul3A_169 = vector.broadcast %broadcast_in_dim3A_168 : vector<256x1x128xf32> to vector<256x24x128xf32>
    %mul3A_170 = arith.mulf %sub3A_97, %mul3A_169 : vector<256x24x128xf32>
    %reduce_sum3A_171 = arith.constant dense<0.000000e+00> : vector<256x24xf32>
    %reduce_sum3A_172 = vector.multi_reduction <add>, %mul3A_170, %reduce_sum3A_171 [2] : vector<256x24x128xf32> to vector<256x24xf32>
    %add3A_173 = arith.addf %reduce_sum3A_167, %reduce_sum3A_172 : vector<256x24xf32>
    %mul3A_174 = arith.constant 0.0883883461 : f32
    %mul3A_175 = vector.broadcast %mul3A_174 : f32 to vector<256x24xf32>
    %mul3A_176 = arith.mulf %add3A_173, %mul3A_175 : vector<256x24xf32>
    %jit3A_177 = arith.constant -1.000000e+10 : f32
    %broadcast_in_dim3A_178 = vector.broadcast %jit3A_177 : f32 to vector<256x24xf32>
    %select_n3A_179 = arith.select %eq3A_99, %broadcast_in_dim3A_178, %mul3A_176 : vector<256x24xi1>, vector<256x24xf32>
    %jit3A_180 = arith.constant 0xFF800000 : f32
    %broadcast_in_dim3A_181 = vector.broadcast %jit3A_180 : f32 to vector<256x24xf32>
    %select_n3A_182 = arith.select %ge3A_101, %broadcast_in_dim3A_181, %select_n3A_179 : vector<256x24xi1>, vector<256x24xf32>
    %reduce_max3A_183 = arith.constant dense<0xFF800000> : vector<256xf32>
    %reduce_max3A_184 = vector.multi_reduction <maximumf>, %select_n3A_182, %reduce_max3A_183 [1] : vector<256x24xf32> to vector<256xf32>
    %broadcast_in_dim3A_185 = vector.shape_cast %reduce_max3A_184 : vector<256xf32> to vector<256x1xf32>
    %sub3A_186 = vector.broadcast %broadcast_in_dim3A_185 : vector<256x1xf32> to vector<256x24xf32>
    %sub3A_187 = arith.subf %select_n3A_182, %sub3A_186 : vector<256x24xf32>
    %exp3A_188 = math.exp %sub3A_187 : vector<256x24xf32>
    %reduce_sum3A_189 = arith.constant dense<0.000000e+00> : vector<256xf32>
    %reduce_sum3A_190 = vector.multi_reduction <add>, %exp3A_188, %reduce_sum3A_189 [1] : vector<256x24xf32> to vector<256xf32>
    %broadcast_in_dim3A_191 = vector.shape_cast %reduce_sum3A_190 : vector<256xf32> to vector<256x1xf32>
    %div3A_192 = vector.broadcast %broadcast_in_dim3A_191 : vector<256x1xf32> to vector<256x24xf32>
    %div3A_193 = arith.divf %exp3A_188, %div3A_192 : vector<256x24xf32>
    %broadcast_in_dim3A_194 = vector.shape_cast %div3A_193 : vector<256x24xf32> to vector<256x24x1xf32>
    %mul3A_195 = vector.broadcast %broadcast_in_dim3A_194 : vector<256x24x1xf32> to vector<256x24x128xf32>
    %mul3A_196 = arith.mulf %get3A_20, %mul3A_195 : vector<256x24x128xf32>
    %reduce_sum3A_197 = arith.constant dense<0.000000e+00> : vector<256x128xf32>
    %reduce_sum3A_198 = vector.multi_reduction <add>, %mul3A_196, %reduce_sum3A_197 [1] : vector<256x24x128xf32> to vector<256x128xf32>
    %mul3A_199 = vector.broadcast %broadcast_in_dim3A_194 : vector<256x24x1xf32> to vector<256x24x128xf32>
    %mul3A_200 = arith.mulf %sub3A_97, %mul3A_199 : vector<256x24x128xf32>
    %reduce_sum3A_201 = arith.constant dense<0.000000e+00> : vector<256x128xf32>
    %reduce_sum3A_202 = vector.multi_reduction <add>, %mul3A_200, %reduce_sum3A_201 [1] : vector<256x24x128xf32> to vector<256x128xf32>
    %slice3A_203 = vector.extract_strided_slice %get3A_40 {offsets = [0, 128], sizes = [256, 128], strides = [1, 1]} : vector<256x256xf32> to vector<256x128xf32>
    %dot_general3A_204 = arith.constant dense<0.000000e+00> : vector<256x128xf32>
    %dot_general3A_205 = tpu.matmul %reduce_sum3A_198, %get3A_55, %dot_general3A_204 {dimension_numbers = #tpu.dot_dimension_numbers<[1], [0], [0], [1], [0, 0, 1, 1], [], []>, transpose_lhs_hint = false} : vector<256x128xf32>, vector<128x128xf32>, vector<256x128xf32> -> vector<256x128xf32>
    %add3A_206 = vector.broadcast %get3A_58 : vector<1x128xf32> to vector<256x128xf32>
    %add3A_207 = arith.addf %dot_general3A_205, %add3A_206 : vector<256x128xf32>
    %slice3A_208 = vector.extract_strided_slice %slice3A_203 {offsets = [0, 0], sizes = [128, 128], strides = [1, 1]} : vector<256x128xf32> to vector<128x128xf32>
    %dot_general3A_209 = arith.constant dense<0.000000e+00> : vector<256x128xf32>
    %dot_general3A_210 = tpu.matmul %add3A_207, %slice3A_208, %dot_general3A_209 {dimension_numbers = #tpu.dot_dimension_numbers<[1], [0], [0], [1], [0, 0, 1, 1], [], []>, transpose_lhs_hint = false} : vector<256x128xf32>, vector<128x128xf32>, vector<256x128xf32> -> vector<256x128xf32>
    %slice3A_211 = vector.extract_strided_slice %slice3A_203 {offsets = [128, 0], sizes = [128, 128], strides = [1, 1]} : vector<256x128xf32> to vector<128x128xf32>
    %dot_general3A_212 = arith.constant dense<0.000000e+00> : vector<256x128xf32>
    %dot_general3A_213 = tpu.matmul %reduce_sum3A_202, %slice3A_211, %dot_general3A_212 {dimension_numbers = #tpu.dot_dimension_numbers<[1], [0], [0], [1], [0, 0, 1, 1], [], []>, transpose_lhs_hint = false} : vector<256x128xf32>, vector<128x128xf32>, vector<256x128xf32> -> vector<256x128xf32>
    %add3A_214 = arith.addf %dot_general3A_210, %dot_general3A_213 : vector<256x128xf32>
    %concatenate3A_215 = tpu.concatenate %add3A_154, %add3A_214 in 1 : vector<256x128xf32>, vector<256x128xf32> -> vector<256x256xf32>
    %concatenate3A_216 = tpu.concatenate %concatenate3A_215, %add3A_9 in 1 : vector<256x256xf32>, vector<256x128xf32> -> vector<256x384xf32>
    %dot_general3A_217 = arith.constant dense<0.000000e+00> : vector<256x128xf32>
    %dot_general3A_218 = tpu.matmul %concatenate3A_216, %get3A_43, %dot_general3A_217 {dimension_numbers = #tpu.dot_dimension_numbers<[1], [0], [0], [1], [0, 0, 1, 1], [], []>, transpose_lhs_hint = false} : vector<256x384xf32>, vector<384x128xf32>, vector<256x128xf32> -> vector<256x128xf32>
    %add3A_219 = vector.broadcast %get3A_46 : vector<1x128xf32> to vector<256x128xf32>
    %add3A_220 = arith.addf %dot_general3A_218, %add3A_219 : vector<256x128xf32>
    %max3A = arith.constant 0.000000e+00 : f32
    %max3A_221 = vector.broadcast %max3A : f32 to vector<256x128xf32>
    %max3A_222 = arith.maximumf %add3A_220, %max3A_221 : vector<256x128xf32>
    %dot_general3A_223 = arith.constant dense<0.000000e+00> : vector<256x128xf32>
    %dot_general3A_224 = tpu.matmul %max3A_222, %get3A_49, %dot_general3A_223 {dimension_numbers = #tpu.dot_dimension_numbers<[1], [0], [0], [1], [0, 0, 1, 1], [], []>, transpose_lhs_hint = false} : vector<256x128xf32>, vector<128x128xf32>, vector<256x128xf32> -> vector<256x128xf32>
    %add3A_225 = vector.broadcast %get3A_52 : vector<1x128xf32> to vector<256x128xf32>
    %add3A_226 = arith.addf %dot_general3A_224, %add3A_225 : vector<256x128xf32>
    %swap3A = arith.constant 0 : index
    %swap3A_227 = arith.constant 0 : index
    %swap3A_228 = vector.load %arg17[%swap3A, %swap3A_227] : memref<256x128xf32, #tpu.memory_space<vmem>>, vector<256x128xf32>
    tpu.vector_store %arg17[%swap3A, %swap3A_227], %add3A_226 {strides = array<i32>} : memref<256x128xf32, #tpu.memory_space<vmem>>, vector<256x128xf32>,
    return
  }
  func.func @transform_0(%arg0: i32) -> (i32, i32) {
    %c0_i32 = arith.constant 0 : i32
    %c0_i32_0 = arith.constant 0 : i32
    return %arg0, %c0_i32 : i32, i32
  }
  func.func @transform_1(%arg0: i32) -> (i32, i32, i32) {
    %c0_i32 = arith.constant 0 : i32
    %c0_i32_0 = arith.constant 0 : i32
    %c0_i32_1 = arith.constant 0 : i32
    return %arg0, %c0_i32, %c0_i32_0 : i32, i32, i32
  }
  func.func @transform_2(%arg0: i32) -> (i32, i32) {
    %c0_i32 = arith.constant 0 : i32
    %c0_i32_0 = arith.constant 0 : i32
    return %arg0, %c0_i32 : i32, i32
  }
  func.func @transform_3(%arg0: i32) -> (i32, i32) {
    %c0_i32 = arith.constant 0 : i32
    %c0_i32_0 = arith.constant 0 : i32
    return %arg0, %c0_i32 : i32, i32
  }
  func.func @transform_4(%arg0: i32) -> (i32, i32) {
    %c0_i32 = arith.constant 0 : i32
    %c0_i32_0 = arith.constant 0 : i32
    return %arg0, %c0_i32 : i32, i32
  }
  func.func @transform_5(%arg0: i32) -> (i32, i32) {
    %c0_i32 = arith.constant 0 : i32
    %c0_i32_0 = arith.constant 0 : i32
    %c0_i32_1 = arith.constant 0 : i32
    return %c0_i32, %c0_i32_0 : i32, i32
  }
  func.func @transform_6(%arg0: i32) -> (i32, i32) {
    %c0_i32 = arith.constant 0 : i32
    %c0_i32_0 = arith.constant 0 : i32
    %c0_i32_1 = arith.constant 0 : i32
    return %c0_i32, %c0_i32_0 : i32, i32
  }
  func.func @transform_7(%arg0: i32) -> (i32, i32, i32) {
    %c0_i32 = arith.constant 0 : i32
    %c0_i32_0 = arith.constant 0 : i32
    %c0_i32_1 = arith.constant 0 : i32
    %c0_i32_2 = arith.constant 0 : i32
    return %c0_i32, %c0_i32_0, %c0_i32_1 : i32, i32, i32
  }
  func.func @transform_8(%arg0: i32) -> (i32, i32, i32) {
    %c0_i32 = arith.constant 0 : i32
    %c0_i32_0 = arith.constant 0 : i32
    %c0_i32_1 = arith.constant 0 : i32
    %c0_i32_2 = arith.constant 0 : i32
    return %c0_i32, %c0_i32_0, %c0_i32_1 : i32, i32, i32
  }
  func.func @transform_9(%arg0: i32) -> (i32, i32) {
    %c0_i32 = arith.constant 0 : i32
    %c0_i32_0 = arith.constant 0 : i32
    %c0_i32_1 = arith.constant 0 : i32
    return %c0_i32, %c0_i32_0 : i32, i32
  }
  func.func @transform_10(%arg0: i32) -> (i32, i32) {
    %c0_i32 = arith.constant 0 : i32
    %c0_i32_0 = arith.constant 0 : i32
    %c0_i32_1 = arith.constant 0 : i32
    return %c0_i32, %c0_i32_0 : i32, i32
  }
  func.func @transform_11(%arg0: i32) -> (i32, i32) {
    %c0_i32 = arith.constant 0 : i32
    %c0_i32_0 = arith.constant 0 : i32
    %c0_i32_1 = arith.constant 0 : i32
    return %c0_i32, %c0_i32_0 : i32, i32
  }
  func.func @transform_12(%arg0: i32) -> (i32, i32) {
    %c0_i32 = arith.constant 0 : i32
    %c0_i32_0 = arith.constant 0 : i32
    %c0_i32_1 = arith.constant 0 : i32
    return %c0_i32, %c0_i32_0 : i32, i32
  }
  func.func @transform_13(%arg0: i32) -> (i32, i32) {
    %c0_i32 = arith.constant 0 : i32
    %c0_i32_0 = arith.constant 0 : i32
    %c0_i32_1 = arith.constant 0 : i32
    return %c0_i32, %c0_i32_0 : i32, i32
  }
  func.func @transform_14(%arg0: i32) -> (i32, i32) {
    %c0_i32 = arith.constant 0 : i32
    %c0_i32_0 = arith.constant 0 : i32
    %c0_i32_1 = arith.constant 0 : i32
    return %c0_i32, %c0_i32_0 : i32, i32
  }
  func.func @transform_15(%arg0: i32) -> (i32, i32) {
    %c0_i32 = arith.constant 0 : i32
    %c0_i32_0 = arith.constant 0 : i32
    %c0_i32_1 = arith.constant 0 : i32
    return %c0_i32, %c0_i32_0 : i32, i32
  }
  func.func @transform_16(%arg0: i32) -> (i32, i32) {
    %c0_i32 = arith.constant 0 : i32
    %c0_i32_0 = arith.constant 0 : i32
    return %arg0, %c0_i32 : i32, i32
  }
}

module attributes {stable_mosaic.version = 14 : i64} {
  func.func @_small_body(%arg0: i32, %arg1: memref<128x128xf32, #tpu.memory_space<vmem>>, %arg2: memref<128x24x128xf32, #tpu.memory_space<vmem>>, %arg3: memref<128x24x128xf32, #tpu.memory_space<vmem>>, %arg4: memref<128x1xf32, #tpu.memory_space<vmem>>, %arg5: memref<128x24xf32, #tpu.memory_space<vmem>>, %arg6: memref<128x24xi32, #tpu.memory_space<vmem>>, %arg7: memref<128x128xf32, #tpu.memory_space<vmem>>, %arg8: memref<1x128xf32, #tpu.memory_space<vmem>>, %arg9: memref<1x1x128xf32, #tpu.memory_space<vmem>>, %arg10: memref<1x1x128xf32, #tpu.memory_space<vmem>>, %arg11: memref<256x256xf32, #tpu.memory_space<vmem>>, %arg12: memref<256x256xf32, #tpu.memory_space<vmem>>, %arg13: memref<256x256xf32, #tpu.memory_space<vmem>>, %arg14: memref<384x128xf32, #tpu.memory_space<vmem>>, %arg15: memref<1x128xf32, #tpu.memory_space<vmem>>, %arg16: memref<128x128xf32, #tpu.memory_space<vmem>>, %arg17: memref<1x128xf32, #tpu.memory_space<vmem>>, %arg18: memref<256x256xf32, #tpu.memory_space<vmem>>, %arg19: memref<256x256xf32, #tpu.memory_space<vmem>>, %arg20: memref<256x256xf32, #tpu.memory_space<vmem>>, %arg21: memref<384x128xf32, #tpu.memory_space<vmem>>, %arg22: memref<1x128xf32, #tpu.memory_space<vmem>>, %arg23: memref<128x128xf32, #tpu.memory_space<vmem>>, %arg24: memref<1x128xf32, #tpu.memory_space<vmem>>, %arg25: memref<128x128xf32, #tpu.memory_space<vmem>>) attributes {dimension_semantics = [#tpu.dimension_semantics<arbitrary>], iteration_bounds = array<i64: 4>, scalar_prefetch = 0 : i64, scratch_operands = 0 : i64, tpu.core_type = #tpu.core_type<tc>, window_params = [{transform_indices = @transform_0, window_bounds = array<i64: 128, 128>}, {transform_indices = @transform_1, window_bounds = array<i64: 128, 24, 128>}, {transform_indices = @transform_2, window_bounds = array<i64: 128, 24, 128>}, {transform_indices = @transform_3, window_bounds = array<i64: 128, 1>}, {transform_indices = @transform_4, window_bounds = array<i64: 128, 24>}, {transform_indices = @transform_5, window_bounds = array<i64: 128, 24>}, {pipeline_mode = #tpu.pipeline_mode<synchronous>, transform_indices = @transform_6, window_bounds = array<i64: 128, 128>}, {pipeline_mode = #tpu.pipeline_mode<synchronous>, transform_indices = @transform_7, window_bounds = array<i64: 1, 128>}, {pipeline_mode = #tpu.pipeline_mode<synchronous>, transform_indices = @transform_8, window_bounds = array<i64: 1, 1, 128>}, {pipeline_mode = #tpu.pipeline_mode<synchronous>, transform_indices = @transform_9, window_bounds = array<i64: 1, 1, 128>}, {pipeline_mode = #tpu.pipeline_mode<synchronous>, transform_indices = @transform_10, window_bounds = array<i64: 256, 256>}, {pipeline_mode = #tpu.pipeline_mode<synchronous>, transform_indices = @transform_11, window_bounds = array<i64: 256, 256>}, {pipeline_mode = #tpu.pipeline_mode<synchronous>, transform_indices = @transform_12, window_bounds = array<i64: 256, 256>}, {pipeline_mode = #tpu.pipeline_mode<synchronous>, transform_indices = @transform_13, window_bounds = array<i64: 384, 128>}, {pipeline_mode = #tpu.pipeline_mode<synchronous>, transform_indices = @transform_14, window_bounds = array<i64: 1, 128>}, {pipeline_mode = #tpu.pipeline_mode<synchronous>, transform_indices = @transform_15, window_bounds = array<i64: 128, 128>}, {pipeline_mode = #tpu.pipeline_mode<synchronous>, transform_indices = @transform_16, window_bounds = array<i64: 1, 128>}, {pipeline_mode = #tpu.pipeline_mode<synchronous>, transform_indices = @transform_17, window_bounds = array<i64: 256, 256>}, {pipeline_mode = #tpu.pipeline_mode<synchronous>, transform_indices = @transform_18, window_bounds = array<i64: 256, 256>}, {pipeline_mode = #tpu.pipeline_mode<synchronous>, transform_indices = @transform_19, window_bounds = array<i64: 256, 256>}, {pipeline_mode = #tpu.pipeline_mode<synchronous>, transform_indices = @transform_20, window_bounds = array<i64: 384, 128>}, {pipeline_mode = #tpu.pipeline_mode<synchronous>, transform_indices = @transform_21, window_bounds = array<i64: 1, 128>}, {pipeline_mode = #tpu.pipeline_mode<synchronous>, transform_indices = @transform_22, window_bounds = array<i64: 128, 128>}, {pipeline_mode = #tpu.pipeline_mode<synchronous>, transform_indices = @transform_23, window_bounds = array<i64: 1, 128>}, {transform_indices = @transform_24, window_bounds = array<i64: 128, 128>}]} {
    %get3A = arith.constant 0 : index
    %get3A_0 = arith.constant 0 : index
    %get3A_1 = vector.load %arg1[%get3A, %get3A_0] : memref<128x128xf32, #tpu.memory_space<vmem>>, vector<128x128xf32>
    %get3A_2 = arith.constant 0 : index
    %get3A_3 = arith.constant 0 : index
    %get3A_4 = vector.load %arg7[%get3A_2, %get3A_3] : memref<128x128xf32, #tpu.memory_space<vmem>>, vector<128x128xf32>
    %dot_general3A = arith.constant dense<0.000000e+00> : vector<128x128xf32>
    %dot_general3A_5 = tpu.matmul %get3A_1, %get3A_4, %dot_general3A {dimension_numbers = #tpu.dot_dimension_numbers<[1], [0], [0], [1], [0, 0, 1, 1], [], []>, transpose_lhs_hint = false} : vector<128x128xf32>, vector<128x128xf32>, vector<128x128xf32> -> vector<128x128xf32>
    %get3A_6 = arith.constant 0 : index
    %get3A_7 = arith.constant 0 : index
    %get3A_8 = vector.load %arg8[%get3A_6, %get3A_7] : memref<1x128xf32, #tpu.memory_space<vmem>>, vector<1x128xf32>
    %add3A = vector.broadcast %get3A_8 : vector<1x128xf32> to vector<128x128xf32>
    %add3A_9 = arith.addf %dot_general3A_5, %add3A : vector<128x128xf32>
    %get3A_10 = arith.constant 0 : index
    %get3A_11 = arith.constant 0 : index
    %get3A_12 = vector.load %arg4[%get3A_10, %get3A_11] : memref<128x1xf32, #tpu.memory_space<vmem>>, vector<128x1xf32>
    %get3A_13 = arith.constant 0 : index
    %get3A_14 = arith.constant 0 : index
    %get3A_15 = vector.load %arg5[%get3A_13, %get3A_14] : memref<128x24xf32, #tpu.memory_space<vmem>>, vector<128x24xf32>
    %sub3A = vector.broadcast %get3A_12 : vector<128x1xf32> to vector<128x24xf32>
    %sub3A_16 = arith.subf %sub3A, %get3A_15 : vector<128x24xf32>
    %broadcast_in_dim3A = vector.shape_cast %sub3A_16 : vector<128x24xf32> to vector<128x24x1xf32>
    %get3A_17 = arith.constant 0 : index
    %get3A_18 = arith.constant 0 : index
    %get3A_19 = arith.constant 0 : index
    %get3A_20 = vector.load %arg9[%get3A_17, %get3A_18, %get3A_19] : memref<1x1x128xf32, #tpu.memory_space<vmem>>, vector<1x1x128xf32>
    %get3A_21 = arith.constant 0 : index
    %get3A_22 = arith.constant 0 : index
    %get3A_23 = arith.constant 0 : index
    %get3A_24 = vector.load %arg10[%get3A_21, %get3A_22, %get3A_23] : memref<1x1x128xf32, #tpu.memory_space<vmem>>, vector<1x1x128xf32>
    %get3A_25 = arith.constant 0 : index
    %get3A_26 = arith.constant 0 : index
    %get3A_27 = vector.load %arg6[%get3A_25, %get3A_26] : memref<128x24xi32, #tpu.memory_space<vmem>>, vector<128x24xi32>
    %get3A_28 = arith.constant 0 : index
    %get3A_29 = arith.constant 0 : index
    %get3A_30 = arith.constant 0 : index
    %get3A_31 = vector.load %arg2[%get3A_28, %get3A_29, %get3A_30] : memref<128x24x128xf32, #tpu.memory_space<vmem>>, vector<128x24x128xf32>
    %get3A_32 = arith.constant 0 : index
    %get3A_33 = arith.constant 0 : index
    %get3A_34 = vector.load %arg11[%get3A_32, %get3A_33] : memref<256x256xf32, #tpu.memory_space<vmem>>, vector<256x256xf32>
    %get3A_35 = arith.constant 0 : index
    %get3A_36 = arith.constant 0 : index
    %get3A_37 = vector.load %arg12[%get3A_35, %get3A_36] : memref<256x256xf32, #tpu.memory_space<vmem>>, vector<256x256xf32>
    %get3A_38 = arith.constant 0 : index
    %get3A_39 = arith.constant 0 : index
    %get3A_40 = vector.load %arg13[%get3A_38, %get3A_39] : memref<256x256xf32, #tpu.memory_space<vmem>>, vector<256x256xf32>
    %get3A_41 = arith.constant 0 : index
    %get3A_42 = arith.constant 0 : index
    %get3A_43 = vector.load %arg14[%get3A_41, %get3A_42] : memref<384x128xf32, #tpu.memory_space<vmem>>, vector<384x128xf32>
    %get3A_44 = arith.constant 0 : index
    %get3A_45 = arith.constant 0 : index
    %get3A_46 = vector.load %arg15[%get3A_44, %get3A_45] : memref<1x128xf32, #tpu.memory_space<vmem>>, vector<1x128xf32>
    %get3A_47 = arith.constant 0 : index
    %get3A_48 = arith.constant 0 : index
    %get3A_49 = vector.load %arg16[%get3A_47, %get3A_48] : memref<128x128xf32, #tpu.memory_space<vmem>>, vector<128x128xf32>
    %get3A_50 = arith.constant 0 : index
    %get3A_51 = arith.constant 0 : index
    %get3A_52 = vector.load %arg17[%get3A_50, %get3A_51] : memref<1x128xf32, #tpu.memory_space<vmem>>, vector<1x128xf32>
    %get3A_53 = arith.constant 0 : index
    %get3A_54 = arith.constant 0 : index
    %get3A_55 = vector.load %arg7[%get3A_53, %get3A_54] : memref<128x128xf32, #tpu.memory_space<vmem>>, vector<128x128xf32>
    %get3A_56 = arith.constant 0 : index
    %get3A_57 = arith.constant 0 : index
    %get3A_58 = vector.load %arg8[%get3A_56, %get3A_57] : memref<1x128xf32, #tpu.memory_space<vmem>>, vector<1x128xf32>
    %squeeze3A = vector.shape_cast %get3A_24 : vector<1x1x128xf32> to vector<1x128xf32>
    %cos3A = math.cos %squeeze3A : vector<1x128xf32>
    %broadcast_in_dim3A_59 = vector.shape_cast %cos3A : vector<1x128xf32> to vector<1x128xf32>
    %broadcast_in_dim3A_60 = vector.broadcast %broadcast_in_dim3A_59 : vector<1x128xf32> to vector<128x128xf32>
    %concatenate3A = tpu.concatenate %add3A_9, %broadcast_in_dim3A_60 in 1 : vector<128x128xf32>, vector<128x128xf32> -> vector<128x256xf32>
    %dot_general3A_61 = arith.constant dense<0.000000e+00> : vector<128x256xf32>
    %dot_general3A_62 = tpu.matmul %concatenate3A, %get3A_34, %dot_general3A_61 {dimension_numbers = #tpu.dot_dimension_numbers<[1], [0], [0], [1], [0, 0, 1, 1], [], []>, transpose_lhs_hint = false} : vector<128x256xf32>, vector<256x256xf32>, vector<128x256xf32> -> vector<128x256xf32>
    %mul3A = vector.broadcast %broadcast_in_dim3A : vector<128x24x1xf32> to vector<128x24x128xf32>
    %mul3A_63 = vector.broadcast %get3A_20 : vector<1x1x128xf32> to vector<128x24x128xf32>
    %mul3A_64 = arith.mulf %mul3A, %mul3A_63 : vector<128x24x128xf32>
    %add3A_65 = vector.broadcast %get3A_24 : vector<1x1x128xf32> to vector<128x24x128xf32>
    %add3A_66 = arith.addf %mul3A_64, %add3A_65 : vector<128x24x128xf32>
    %mul3A_67 = arith.constant 0.159154937 : f32
    %mul3A_68 = vector.broadcast %mul3A_67 : f32 to vector<128x24x128xf32>
    %mul3A_69 = arith.mulf %add3A_66, %mul3A_68 : vector<128x24x128xf32>
    %round3A = math.roundeven %mul3A_69 : vector<128x24x128xf32>
    %sub3A_70 = arith.subf %mul3A_69, %round3A : vector<128x24x128xf32>
    %mul3A_71 = arith.mulf %sub3A_70, %sub3A_70 : vector<128x24x128xf32>
    %mul3A_72 = arith.constant 0.0772210732 : f32
    %mul3A_73 = vector.broadcast %mul3A_72 : f32 to vector<128x24x128xf32>
    %mul3A_74 = arith.mulf %mul3A_71, %mul3A_73 : vector<128x24x128xf32>
    %add3A_75 = arith.constant -0.598045647 : f32
    %add3A_76 = vector.broadcast %add3A_75 : f32 to vector<128x24x128xf32>
    %add3A_77 = arith.addf %add3A_76, %mul3A_74 : vector<128x24x128xf32>
    %mul3A_78 = arith.mulf %mul3A_71, %add3A_77 : vector<128x24x128xf32>
    %add3A_79 = arith.constant 2.55003142 : f32
    %add3A_80 = vector.broadcast %add3A_79 : f32 to vector<128x24x128xf32>
    %add3A_81 = arith.addf %add3A_80, %mul3A_78 : vector<128x24x128xf32>
    %mul3A_82 = arith.mulf %mul3A_71, %add3A_81 : vector<128x24x128xf32>
    %add3A_83 = arith.constant -5.16770697 : f32
    %add3A_84 = vector.broadcast %add3A_83 : f32 to vector<128x24x128xf32>
    %add3A_85 = arith.addf %add3A_84, %mul3A_82 : vector<128x24x128xf32>
    %mul3A_86 = arith.mulf %mul3A_71, %add3A_85 : vector<128x24x128xf32>
    %add3A_87 = arith.constant 3.1415925 : f32
    %add3A_88 = vector.broadcast %add3A_87 : f32 to vector<128x24x128xf32>
    %add3A_89 = arith.addf %add3A_88, %mul3A_86 : vector<128x24x128xf32>
    %mul3A_90 = arith.mulf %sub3A_70, %add3A_89 : vector<128x24x128xf32>
    %mul3A_91 = arith.constant 2.000000e+00 : f32
    %mul3A_92 = vector.broadcast %mul3A_91 : f32 to vector<128x24x128xf32>
    %mul3A_93 = arith.mulf %mul3A_92, %mul3A_90 : vector<128x24x128xf32>
    %mul3A_94 = arith.mulf %mul3A_93, %mul3A_90 : vector<128x24x128xf32>
    %sub3A_95 = arith.constant 1.000000e+00 : f32
    %sub3A_96 = vector.broadcast %sub3A_95 : f32 to vector<128x24x128xf32>
    %sub3A_97 = arith.subf %sub3A_96, %mul3A_94 : vector<128x24x128xf32>
    %eq3A = arith.constant 0 : i32
    %eq3A_98 = vector.broadcast %eq3A : i32 to vector<128x24xi32>
    %eq3A_99 = arith.cmpi eq, %get3A_27, %eq3A_98 : vector<128x24xi32>
    %iota3A = tpu.iota {dimensions = array<i32: 1>} : vector<128x24xi32>
    %ge3A = arith.constant 20 : i32
    %ge3A_100 = vector.broadcast %ge3A : i32 to vector<128x24xi32>
    %ge3A_101 = arith.cmpi sge, %iota3A, %ge3A_100 : vector<128x24xi32>
    %slice3A = vector.extract_strided_slice %dot_general3A_62 {offsets = [0, 0], sizes = [128, 128], strides = [1, 1]} : vector<128x256xf32> to vector<128x128xf32>
    %slice3A_102 = vector.extract_strided_slice %get3A_37 {offsets = [0, 0], sizes = [256, 128], strides = [1, 1]} : vector<256x256xf32> to vector<256x128xf32>
    %dot_general3A_103 = arith.constant dense<0.000000e+00> : vector<128x256xf32>
    %dot_general3A_104 = tpu.matmul %slice3A, %slice3A_102, %dot_general3A_103 {dimension_numbers = #tpu.dot_dimension_numbers<[1], [1], [0], [0], [0, 0, 1, 0], [], []>, transpose_lhs_hint = false} : vector<128x128xf32>, vector<256x128xf32>, vector<128x256xf32> -> vector<128x256xf32>
    %slice3A_105 = vector.extract_strided_slice %dot_general3A_104 {offsets = [0, 0], sizes = [128, 128], strides = [1, 1]} : vector<128x256xf32> to vector<128x128xf32>
    %slice3A_106 = vector.extract_strided_slice %dot_general3A_104 {offsets = [0, 128], sizes = [128, 128], strides = [1, 1]} : vector<128x256xf32> to vector<128x128xf32>
    %dot_general3A_107 = arith.constant dense<0.000000e+00> : vector<128x128xf32>
    %dot_general3A_108 = tpu.matmul %slice3A_105, %get3A_55, %dot_general3A_107 {dimension_numbers = #tpu.dot_dimension_numbers<[1], [1], [0], [0], [0, 0, 1, 0], [], []>, transpose_lhs_hint = false} : vector<128x128xf32>, vector<128x128xf32>, vector<128x128xf32> -> vector<128x128xf32>
    %broadcast_in_dim3A_109 = vector.shape_cast %dot_general3A_108 : vector<128x128xf32> to vector<128x1x128xf32>
    %mul3A_110 = vector.broadcast %broadcast_in_dim3A_109 : vector<128x1x128xf32> to vector<128x24x128xf32>
    %mul3A_111 = arith.mulf %get3A_31, %mul3A_110 : vector<128x24x128xf32>
    %reduce_sum3A = arith.constant dense<0.000000e+00> : vector<128x24xf32>
    %reduce_sum3A_112 = vector.multi_reduction <add>, %mul3A_111, %reduce_sum3A [2] : vector<128x24x128xf32> to vector<128x24xf32>
    %broadcast_in_dim3A_113 = vector.shape_cast %slice3A_106 : vector<128x128xf32> to vector<128x1x128xf32>
    %mul3A_114 = vector.broadcast %broadcast_in_dim3A_113 : vector<128x1x128xf32> to vector<128x24x128xf32>
    %mul3A_115 = arith.mulf %sub3A_97, %mul3A_114 : vector<128x24x128xf32>
    %reduce_sum3A_116 = arith.constant dense<0.000000e+00> : vector<128x24xf32>
    %reduce_sum3A_117 = vector.multi_reduction <add>, %mul3A_115, %reduce_sum3A_116 [2] : vector<128x24x128xf32> to vector<128x24xf32>
    %add3A_118 = arith.addf %reduce_sum3A_112, %reduce_sum3A_117 : vector<128x24xf32>
    %mul3A_119 = arith.constant 0.0883883461 : f32
    %mul3A_120 = vector.broadcast %mul3A_119 : f32 to vector<128x24xf32>
    %mul3A_121 = arith.mulf %add3A_118, %mul3A_120 : vector<128x24xf32>
    %jit3A = arith.constant -1.000000e+10 : f32
    %broadcast_in_dim3A_122 = vector.broadcast %jit3A : f32 to vector<128x24xf32>
    %select_n3A = arith.select %eq3A_99, %broadcast_in_dim3A_122, %mul3A_121 : vector<128x24xi1>, vector<128x24xf32>
    %jit3A_123 = arith.constant 0xFF800000 : f32
    %broadcast_in_dim3A_124 = vector.broadcast %jit3A_123 : f32 to vector<128x24xf32>
    %select_n3A_125 = arith.select %ge3A_101, %broadcast_in_dim3A_124, %select_n3A : vector<128x24xi1>, vector<128x24xf32>
    %reduce_max3A = arith.constant dense<0xFF800000> : vector<128xf32>
    %reduce_max3A_126 = vector.multi_reduction <maximumf>, %select_n3A_125, %reduce_max3A [1] : vector<128x24xf32> to vector<128xf32>
    %broadcast_in_dim3A_127 = vector.shape_cast %reduce_max3A_126 : vector<128xf32> to vector<128x1xf32>
    %sub3A_128 = vector.broadcast %broadcast_in_dim3A_127 : vector<128x1xf32> to vector<128x24xf32>
    %sub3A_129 = arith.subf %select_n3A_125, %sub3A_128 : vector<128x24xf32>
    %exp3A = math.exp %sub3A_129 : vector<128x24xf32>
    %reduce_sum3A_130 = arith.constant dense<0.000000e+00> : vector<128xf32>
    %reduce_sum3A_131 = vector.multi_reduction <add>, %exp3A, %reduce_sum3A_130 [1] : vector<128x24xf32> to vector<128xf32>
    %broadcast_in_dim3A_132 = vector.shape_cast %reduce_sum3A_131 : vector<128xf32> to vector<128x1xf32>
    %div3A = vector.broadcast %broadcast_in_dim3A_132 : vector<128x1xf32> to vector<128x24xf32>
    %div3A_133 = arith.divf %exp3A, %div3A : vector<128x24xf32>
    %broadcast_in_dim3A_134 = vector.shape_cast %div3A_133 : vector<128x24xf32> to vector<128x24x1xf32>
    %mul3A_135 = vector.broadcast %broadcast_in_dim3A_134 : vector<128x24x1xf32> to vector<128x24x128xf32>
    %mul3A_136 = arith.mulf %get3A_31, %mul3A_135 : vector<128x24x128xf32>
    %reduce_sum3A_137 = arith.constant dense<0.000000e+00> : vector<128x128xf32>
    %reduce_sum3A_138 = vector.multi_reduction <add>, %mul3A_136, %reduce_sum3A_137 [1] : vector<128x24x128xf32> to vector<128x128xf32>
    %mul3A_139 = vector.broadcast %broadcast_in_dim3A_134 : vector<128x24x1xf32> to vector<128x24x128xf32>
    %mul3A_140 = arith.mulf %sub3A_97, %mul3A_139 : vector<128x24x128xf32>
    %reduce_sum3A_141 = arith.constant dense<0.000000e+00> : vector<128x128xf32>
    %reduce_sum3A_142 = vector.multi_reduction <add>, %mul3A_140, %reduce_sum3A_141 [1] : vector<128x24x128xf32> to vector<128x128xf32>
    %slice3A_143 = vector.extract_strided_slice %get3A_40 {offsets = [0, 0], sizes = [256, 128], strides = [1, 1]} : vector<256x256xf32> to vector<256x128xf32>
    %dot_general3A_144 = arith.constant dense<0.000000e+00> : vector<128x128xf32>
    %dot_general3A_145 = tpu.matmul %reduce_sum3A_138, %get3A_55, %dot_general3A_144 {dimension_numbers = #tpu.dot_dimension_numbers<[1], [0], [0], [1], [0, 0, 1, 1], [], []>, transpose_lhs_hint = false} : vector<128x128xf32>, vector<128x128xf32>, vector<128x128xf32> -> vector<128x128xf32>
    %add3A_146 = vector.broadcast %get3A_58 : vector<1x128xf32> to vector<128x128xf32>
    %add3A_147 = arith.addf %dot_general3A_145, %add3A_146 : vector<128x128xf32>
    %slice3A_148 = vector.extract_strided_slice %slice3A_143 {offsets = [0, 0], sizes = [128, 128], strides = [1, 1]} : vector<256x128xf32> to vector<128x128xf32>
    %dot_general3A_149 = arith.constant dense<0.000000e+00> : vector<128x128xf32>
    %dot_general3A_150 = tpu.matmul %add3A_147, %slice3A_148, %dot_general3A_149 {dimension_numbers = #tpu.dot_dimension_numbers<[1], [0], [0], [1], [0, 0, 1, 1], [], []>, transpose_lhs_hint = false} : vector<128x128xf32>, vector<128x128xf32>, vector<128x128xf32> -> vector<128x128xf32>
    %slice3A_151 = vector.extract_strided_slice %slice3A_143 {offsets = [128, 0], sizes = [128, 128], strides = [1, 1]} : vector<256x128xf32> to vector<128x128xf32>
    %dot_general3A_152 = arith.constant dense<0.000000e+00> : vector<128x128xf32>
    %dot_general3A_153 = tpu.matmul %reduce_sum3A_142, %slice3A_151, %dot_general3A_152 {dimension_numbers = #tpu.dot_dimension_numbers<[1], [0], [0], [1], [0, 0, 1, 1], [], []>, transpose_lhs_hint = false} : vector<128x128xf32>, vector<128x128xf32>, vector<128x128xf32> -> vector<128x128xf32>
    %add3A_154 = arith.addf %dot_general3A_150, %dot_general3A_153 : vector<128x128xf32>
    %slice3A_155 = vector.extract_strided_slice %dot_general3A_62 {offsets = [0, 128], sizes = [128, 128], strides = [1, 1]} : vector<128x256xf32> to vector<128x128xf32>
    %slice3A_156 = vector.extract_strided_slice %get3A_37 {offsets = [0, 128], sizes = [256, 128], strides = [1, 1]} : vector<256x256xf32> to vector<256x128xf32>
    %dot_general3A_157 = arith.constant dense<0.000000e+00> : vector<128x256xf32>
    %dot_general3A_158 = tpu.matmul %slice3A_155, %slice3A_156, %dot_general3A_157 {dimension_numbers = #tpu.dot_dimension_numbers<[1], [1], [0], [0], [0, 0, 1, 0], [], []>, transpose_lhs_hint = false} : vector<128x128xf32>, vector<256x128xf32>, vector<128x256xf32> -> vector<128x256xf32>
    %slice3A_159 = vector.extract_strided_slice %dot_general3A_158 {offsets = [0, 0], sizes = [128, 128], strides = [1, 1]} : vector<128x256xf32> to vector<128x128xf32>
    %slice3A_160 = vector.extract_strided_slice %dot_general3A_158 {offsets = [0, 128], sizes = [128, 128], strides = [1, 1]} : vector<128x256xf32> to vector<128x128xf32>
    %dot_general3A_161 = arith.constant dense<0.000000e+00> : vector<128x128xf32>
    %dot_general3A_162 = tpu.matmul %slice3A_159, %get3A_55, %dot_general3A_161 {dimension_numbers = #tpu.dot_dimension_numbers<[1], [1], [0], [0], [0, 0, 1, 0], [], []>, transpose_lhs_hint = false} : vector<128x128xf32>, vector<128x128xf32>, vector<128x128xf32> -> vector<128x128xf32>
    %broadcast_in_dim3A_163 = vector.shape_cast %dot_general3A_162 : vector<128x128xf32> to vector<128x1x128xf32>
    %mul3A_164 = vector.broadcast %broadcast_in_dim3A_163 : vector<128x1x128xf32> to vector<128x24x128xf32>
    %mul3A_165 = arith.mulf %get3A_31, %mul3A_164 : vector<128x24x128xf32>
    %reduce_sum3A_166 = arith.constant dense<0.000000e+00> : vector<128x24xf32>
    %reduce_sum3A_167 = vector.multi_reduction <add>, %mul3A_165, %reduce_sum3A_166 [2] : vector<128x24x128xf32> to vector<128x24xf32>
    %broadcast_in_dim3A_168 = vector.shape_cast %slice3A_160 : vector<128x128xf32> to vector<128x1x128xf32>
    %mul3A_169 = vector.broadcast %broadcast_in_dim3A_168 : vector<128x1x128xf32> to vector<128x24x128xf32>
    %mul3A_170 = arith.mulf %sub3A_97, %mul3A_169 : vector<128x24x128xf32>
    %reduce_sum3A_171 = arith.constant dense<0.000000e+00> : vector<128x24xf32>
    %reduce_sum3A_172 = vector.multi_reduction <add>, %mul3A_170, %reduce_sum3A_171 [2] : vector<128x24x128xf32> to vector<128x24xf32>
    %add3A_173 = arith.addf %reduce_sum3A_167, %reduce_sum3A_172 : vector<128x24xf32>
    %mul3A_174 = arith.constant 0.0883883461 : f32
    %mul3A_175 = vector.broadcast %mul3A_174 : f32 to vector<128x24xf32>
    %mul3A_176 = arith.mulf %add3A_173, %mul3A_175 : vector<128x24xf32>
    %jit3A_177 = arith.constant -1.000000e+10 : f32
    %broadcast_in_dim3A_178 = vector.broadcast %jit3A_177 : f32 to vector<128x24xf32>
    %select_n3A_179 = arith.select %eq3A_99, %broadcast_in_dim3A_178, %mul3A_176 : vector<128x24xi1>, vector<128x24xf32>
    %jit3A_180 = arith.constant 0xFF800000 : f32
    %broadcast_in_dim3A_181 = vector.broadcast %jit3A_180 : f32 to vector<128x24xf32>
    %select_n3A_182 = arith.select %ge3A_101, %broadcast_in_dim3A_181, %select_n3A_179 : vector<128x24xi1>, vector<128x24xf32>
    %reduce_max3A_183 = arith.constant dense<0xFF800000> : vector<128xf32>
    %reduce_max3A_184 = vector.multi_reduction <maximumf>, %select_n3A_182, %reduce_max3A_183 [1] : vector<128x24xf32> to vector<128xf32>
    %broadcast_in_dim3A_185 = vector.shape_cast %reduce_max3A_184 : vector<128xf32> to vector<128x1xf32>
    %sub3A_186 = vector.broadcast %broadcast_in_dim3A_185 : vector<128x1xf32> to vector<128x24xf32>
    %sub3A_187 = arith.subf %select_n3A_182, %sub3A_186 : vector<128x24xf32>
    %exp3A_188 = math.exp %sub3A_187 : vector<128x24xf32>
    %reduce_sum3A_189 = arith.constant dense<0.000000e+00> : vector<128xf32>
    %reduce_sum3A_190 = vector.multi_reduction <add>, %exp3A_188, %reduce_sum3A_189 [1] : vector<128x24xf32> to vector<128xf32>
    %broadcast_in_dim3A_191 = vector.shape_cast %reduce_sum3A_190 : vector<128xf32> to vector<128x1xf32>
    %div3A_192 = vector.broadcast %broadcast_in_dim3A_191 : vector<128x1xf32> to vector<128x24xf32>
    %div3A_193 = arith.divf %exp3A_188, %div3A_192 : vector<128x24xf32>
    %broadcast_in_dim3A_194 = vector.shape_cast %div3A_193 : vector<128x24xf32> to vector<128x24x1xf32>
    %mul3A_195 = vector.broadcast %broadcast_in_dim3A_194 : vector<128x24x1xf32> to vector<128x24x128xf32>
    %mul3A_196 = arith.mulf %get3A_31, %mul3A_195 : vector<128x24x128xf32>
    %reduce_sum3A_197 = arith.constant dense<0.000000e+00> : vector<128x128xf32>
    %reduce_sum3A_198 = vector.multi_reduction <add>, %mul3A_196, %reduce_sum3A_197 [1] : vector<128x24x128xf32> to vector<128x128xf32>
    %mul3A_199 = vector.broadcast %broadcast_in_dim3A_194 : vector<128x24x1xf32> to vector<128x24x128xf32>
    %mul3A_200 = arith.mulf %sub3A_97, %mul3A_199 : vector<128x24x128xf32>
    %reduce_sum3A_201 = arith.constant dense<0.000000e+00> : vector<128x128xf32>
    %reduce_sum3A_202 = vector.multi_reduction <add>, %mul3A_200, %reduce_sum3A_201 [1] : vector<128x24x128xf32> to vector<128x128xf32>
    %slice3A_203 = vector.extract_strided_slice %get3A_40 {offsets = [0, 128], sizes = [256, 128], strides = [1, 1]} : vector<256x256xf32> to vector<256x128xf32>
    %dot_general3A_204 = arith.constant dense<0.000000e+00> : vector<128x128xf32>
    %dot_general3A_205 = tpu.matmul %reduce_sum3A_198, %get3A_55, %dot_general3A_204 {dimension_numbers = #tpu.dot_dimension_numbers<[1], [0], [0], [1], [0, 0, 1, 1], [], []>, transpose_lhs_hint = false} : vector<128x128xf32>, vector<128x128xf32>, vector<128x128xf32> -> vector<128x128xf32>
    %add3A_206 = vector.broadcast %get3A_58 : vector<1x128xf32> to vector<128x128xf32>
    %add3A_207 = arith.addf %dot_general3A_205, %add3A_206 : vector<128x128xf32>
    %slice3A_208 = vector.extract_strided_slice %slice3A_203 {offsets = [0, 0], sizes = [128, 128], strides = [1, 1]} : vector<256x128xf32> to vector<128x128xf32>
    %dot_general3A_209 = arith.constant dense<0.000000e+00> : vector<128x128xf32>
    %dot_general3A_210 = tpu.matmul %add3A_207, %slice3A_208, %dot_general3A_209 {dimension_numbers = #tpu.dot_dimension_numbers<[1], [0], [0], [1], [0, 0, 1, 1], [], []>, transpose_lhs_hint = false} : vector<128x128xf32>, vector<128x128xf32>, vector<128x128xf32> -> vector<128x128xf32>
    %slice3A_211 = vector.extract_strided_slice %slice3A_203 {offsets = [128, 0], sizes = [128, 128], strides = [1, 1]} : vector<256x128xf32> to vector<128x128xf32>
    %dot_general3A_212 = arith.constant dense<0.000000e+00> : vector<128x128xf32>
    %dot_general3A_213 = tpu.matmul %reduce_sum3A_202, %slice3A_211, %dot_general3A_212 {dimension_numbers = #tpu.dot_dimension_numbers<[1], [0], [0], [1], [0, 0, 1, 1], [], []>, transpose_lhs_hint = false} : vector<128x128xf32>, vector<128x128xf32>, vector<128x128xf32> -> vector<128x128xf32>
    %add3A_214 = arith.addf %dot_general3A_210, %dot_general3A_213 : vector<128x128xf32>
    %concatenate3A_215 = tpu.concatenate %add3A_154, %add3A_214 in 1 : vector<128x128xf32>, vector<128x128xf32> -> vector<128x256xf32>
    %concatenate3A_216 = tpu.concatenate %concatenate3A_215, %add3A_9 in 1 : vector<128x256xf32>, vector<128x128xf32> -> vector<128x384xf32>
    %dot_general3A_217 = arith.constant dense<0.000000e+00> : vector<128x128xf32>
    %dot_general3A_218 = tpu.matmul %concatenate3A_216, %get3A_43, %dot_general3A_217 {dimension_numbers = #tpu.dot_dimension_numbers<[1], [0], [0], [1], [0, 0, 1, 1], [], []>, transpose_lhs_hint = false} : vector<128x384xf32>, vector<384x128xf32>, vector<128x128xf32> -> vector<128x128xf32>
    %add3A_219 = vector.broadcast %get3A_46 : vector<1x128xf32> to vector<128x128xf32>
    %add3A_220 = arith.addf %dot_general3A_218, %add3A_219 : vector<128x128xf32>
    %max3A = arith.constant 0.000000e+00 : f32
    %max3A_221 = vector.broadcast %max3A : f32 to vector<128x128xf32>
    %max3A_222 = arith.maximumf %add3A_220, %max3A_221 : vector<128x128xf32>
    %dot_general3A_223 = arith.constant dense<0.000000e+00> : vector<128x128xf32>
    %dot_general3A_224 = tpu.matmul %max3A_222, %get3A_49, %dot_general3A_223 {dimension_numbers = #tpu.dot_dimension_numbers<[1], [0], [0], [1], [0, 0, 1, 1], [], []>, transpose_lhs_hint = false} : vector<128x128xf32>, vector<128x128xf32>, vector<128x128xf32> -> vector<128x128xf32>
    %add3A_225 = vector.broadcast %get3A_52 : vector<1x128xf32> to vector<128x128xf32>
    %add3A_226 = arith.addf %dot_general3A_224, %add3A_225 : vector<128x128xf32>
    %get3A_227 = arith.constant 0 : index
    %get3A_228 = arith.constant 0 : index
    %get3A_229 = arith.constant 0 : index
    %get3A_230 = vector.load %arg3[%get3A_227, %get3A_228, %get3A_229] : memref<128x24x128xf32, #tpu.memory_space<vmem>>, vector<128x24x128xf32>
    %get3A_231 = arith.constant 0 : index
    %get3A_232 = arith.constant 0 : index
    %get3A_233 = vector.load %arg18[%get3A_231, %get3A_232] : memref<256x256xf32, #tpu.memory_space<vmem>>, vector<256x256xf32>
    %get3A_234 = arith.constant 0 : index
    %get3A_235 = arith.constant 0 : index
    %get3A_236 = vector.load %arg19[%get3A_234, %get3A_235] : memref<256x256xf32, #tpu.memory_space<vmem>>, vector<256x256xf32>
    %get3A_237 = arith.constant 0 : index
    %get3A_238 = arith.constant 0 : index
    %get3A_239 = vector.load %arg20[%get3A_237, %get3A_238] : memref<256x256xf32, #tpu.memory_space<vmem>>, vector<256x256xf32>
    %get3A_240 = arith.constant 0 : index
    %get3A_241 = arith.constant 0 : index
    %get3A_242 = vector.load %arg21[%get3A_240, %get3A_241] : memref<384x128xf32, #tpu.memory_space<vmem>>, vector<384x128xf32>
    %get3A_243 = arith.constant 0 : index
    %get3A_244 = arith.constant 0 : index
    %get3A_245 = vector.load %arg22[%get3A_243, %get3A_244] : memref<1x128xf32, #tpu.memory_space<vmem>>, vector<1x128xf32>
    %get3A_246 = arith.constant 0 : index
    %get3A_247 = arith.constant 0 : index
    %get3A_248 = vector.load %arg23[%get3A_246, %get3A_247] : memref<128x128xf32, #tpu.memory_space<vmem>>, vector<128x128xf32>
    %get3A_249 = arith.constant 0 : index
    %get3A_250 = arith.constant 0 : index
    %get3A_251 = vector.load %arg24[%get3A_249, %get3A_250] : memref<1x128xf32, #tpu.memory_space<vmem>>, vector<1x128xf32>
    %squeeze3A_252 = vector.shape_cast %get3A_24 : vector<1x1x128xf32> to vector<1x128xf32>
    %cos3A_253 = math.cos %squeeze3A_252 : vector<1x128xf32>
    %broadcast_in_dim3A_254 = vector.shape_cast %cos3A_253 : vector<1x128xf32> to vector<1x128xf32>
    %broadcast_in_dim3A_255 = vector.broadcast %broadcast_in_dim3A_254 : vector<1x128xf32> to vector<128x128xf32>
    %concatenate3A_256 = tpu.concatenate %add3A_226, %broadcast_in_dim3A_255 in 1 : vector<128x128xf32>, vector<128x128xf32> -> vector<128x256xf32>
    %dot_general3A_257 = arith.constant dense<0.000000e+00> : vector<128x256xf32>
    %dot_general3A_258 = tpu.matmul %concatenate3A_256, %get3A_233, %dot_general3A_257 {dimension_numbers = #tpu.dot_dimension_numbers<[1], [0], [0], [1], [0, 0, 1, 1], [], []>, transpose_lhs_hint = false} : vector<128x256xf32>, vector<256x256xf32>, vector<128x256xf32> -> vector<128x256xf32>
    %mul3A_259 = vector.broadcast %broadcast_in_dim3A : vector<128x24x1xf32> to vector<128x24x128xf32>
    %mul3A_260 = vector.broadcast %get3A_20 : vector<1x1x128xf32> to vector<128x24x128xf32>
    %mul3A_261 = arith.mulf %mul3A_259, %mul3A_260 : vector<128x24x128xf32>
    %add3A_262 = vector.broadcast %get3A_24 : vector<1x1x128xf32> to vector<128x24x128xf32>
    %add3A_263 = arith.addf %mul3A_261, %add3A_262 : vector<128x24x128xf32>
    %mul3A_264 = arith.constant 0.159154937 : f32
    %mul3A_265 = vector.broadcast %mul3A_264 : f32 to vector<128x24x128xf32>
    %mul3A_266 = arith.mulf %add3A_263, %mul3A_265 : vector<128x24x128xf32>
    %round3A_267 = math.roundeven %mul3A_266 : vector<128x24x128xf32>
    %sub3A_268 = arith.subf %mul3A_266, %round3A_267 : vector<128x24x128xf32>
    %mul3A_269 = arith.mulf %sub3A_268, %sub3A_268 : vector<128x24x128xf32>
    %mul3A_270 = arith.constant 0.0772210732 : f32
    %mul3A_271 = vector.broadcast %mul3A_270 : f32 to vector<128x24x128xf32>
    %mul3A_272 = arith.mulf %mul3A_269, %mul3A_271 : vector<128x24x128xf32>
    %add3A_273 = arith.constant -0.598045647 : f32
    %add3A_274 = vector.broadcast %add3A_273 : f32 to vector<128x24x128xf32>
    %add3A_275 = arith.addf %add3A_274, %mul3A_272 : vector<128x24x128xf32>
    %mul3A_276 = arith.mulf %mul3A_269, %add3A_275 : vector<128x24x128xf32>
    %add3A_277 = arith.constant 2.55003142 : f32
    %add3A_278 = vector.broadcast %add3A_277 : f32 to vector<128x24x128xf32>
    %add3A_279 = arith.addf %add3A_278, %mul3A_276 : vector<128x24x128xf32>
    %mul3A_280 = arith.mulf %mul3A_269, %add3A_279 : vector<128x24x128xf32>
    %add3A_281 = arith.constant -5.16770697 : f32
    %add3A_282 = vector.broadcast %add3A_281 : f32 to vector<128x24x128xf32>
    %add3A_283 = arith.addf %add3A_282, %mul3A_280 : vector<128x24x128xf32>
    %mul3A_284 = arith.mulf %mul3A_269, %add3A_283 : vector<128x24x128xf32>
    %add3A_285 = arith.constant 3.1415925 : f32
    %add3A_286 = vector.broadcast %add3A_285 : f32 to vector<128x24x128xf32>
    %add3A_287 = arith.addf %add3A_286, %mul3A_284 : vector<128x24x128xf32>
    %mul3A_288 = arith.mulf %sub3A_268, %add3A_287 : vector<128x24x128xf32>
    %mul3A_289 = arith.constant 2.000000e+00 : f32
    %mul3A_290 = vector.broadcast %mul3A_289 : f32 to vector<128x24x128xf32>
    %mul3A_291 = arith.mulf %mul3A_290, %mul3A_288 : vector<128x24x128xf32>
    %mul3A_292 = arith.mulf %mul3A_291, %mul3A_288 : vector<128x24x128xf32>
    %sub3A_293 = arith.constant 1.000000e+00 : f32
    %sub3A_294 = vector.broadcast %sub3A_293 : f32 to vector<128x24x128xf32>
    %sub3A_295 = arith.subf %sub3A_294, %mul3A_292 : vector<128x24x128xf32>
    %eq3A_296 = arith.constant 0 : i32
    %eq3A_297 = vector.broadcast %eq3A_296 : i32 to vector<128x24xi32>
    %eq3A_298 = arith.cmpi eq, %get3A_27, %eq3A_297 : vector<128x24xi32>
    %iota3A_299 = tpu.iota {dimensions = array<i32: 1>} : vector<128x24xi32>
    %ge3A_300 = arith.constant 20 : i32
    %ge3A_301 = vector.broadcast %ge3A_300 : i32 to vector<128x24xi32>
    %ge3A_302 = arith.cmpi sge, %iota3A_299, %ge3A_301 : vector<128x24xi32>
    %slice3A_303 = vector.extract_strided_slice %dot_general3A_258 {offsets = [0, 0], sizes = [128, 128], strides = [1, 1]} : vector<128x256xf32> to vector<128x128xf32>
    %slice3A_304 = vector.extract_strided_slice %get3A_236 {offsets = [0, 0], sizes = [256, 128], strides = [1, 1]} : vector<256x256xf32> to vector<256x128xf32>
    %dot_general3A_305 = arith.constant dense<0.000000e+00> : vector<128x256xf32>
    %dot_general3A_306 = tpu.matmul %slice3A_303, %slice3A_304, %dot_general3A_305 {dimension_numbers = #tpu.dot_dimension_numbers<[1], [1], [0], [0], [0, 0, 1, 0], [], []>, transpose_lhs_hint = false} : vector<128x128xf32>, vector<256x128xf32>, vector<128x256xf32> -> vector<128x256xf32>
    %slice3A_307 = vector.extract_strided_slice %dot_general3A_306 {offsets = [0, 0], sizes = [128, 128], strides = [1, 1]} : vector<128x256xf32> to vector<128x128xf32>
    %slice3A_308 = vector.extract_strided_slice %dot_general3A_306 {offsets = [0, 128], sizes = [128, 128], strides = [1, 1]} : vector<128x256xf32> to vector<128x128xf32>
    %broadcast_in_dim3A_309 = vector.shape_cast %slice3A_307 : vector<128x128xf32> to vector<128x1x128xf32>
    %mul3A_310 = vector.broadcast %broadcast_in_dim3A_309 : vector<128x1x128xf32> to vector<128x24x128xf32>
    %mul3A_311 = arith.mulf %get3A_230, %mul3A_310 : vector<128x24x128xf32>
    %reduce_sum3A_312 = arith.constant dense<0.000000e+00> : vector<128x24xf32>
    %reduce_sum3A_313 = vector.multi_reduction <add>, %mul3A_311, %reduce_sum3A_312 [2] : vector<128x24x128xf32> to vector<128x24xf32>
    %broadcast_in_dim3A_314 = vector.shape_cast %slice3A_308 : vector<128x128xf32> to vector<128x1x128xf32>
    %mul3A_315 = vector.broadcast %broadcast_in_dim3A_314 : vector<128x1x128xf32> to vector<128x24x128xf32>
    %mul3A_316 = arith.mulf %sub3A_295, %mul3A_315 : vector<128x24x128xf32>
    %reduce_sum3A_317 = arith.constant dense<0.000000e+00> : vector<128x24xf32>
    %reduce_sum3A_318 = vector.multi_reduction <add>, %mul3A_316, %reduce_sum3A_317 [2] : vector<128x24x128xf32> to vector<128x24xf32>
    %add3A_319 = arith.addf %reduce_sum3A_313, %reduce_sum3A_318 : vector<128x24xf32>
    %mul3A_320 = arith.constant 0.0883883461 : f32
    %mul3A_321 = vector.broadcast %mul3A_320 : f32 to vector<128x24xf32>
    %mul3A_322 = arith.mulf %add3A_319, %mul3A_321 : vector<128x24xf32>
    %jit3A_323 = arith.constant -1.000000e+10 : f32
    %broadcast_in_dim3A_324 = vector.broadcast %jit3A_323 : f32 to vector<128x24xf32>
    %select_n3A_325 = arith.select %eq3A_298, %broadcast_in_dim3A_324, %mul3A_322 : vector<128x24xi1>, vector<128x24xf32>
    %jit3A_326 = arith.constant 0xFF800000 : f32
    %broadcast_in_dim3A_327 = vector.broadcast %jit3A_326 : f32 to vector<128x24xf32>
    %select_n3A_328 = arith.select %ge3A_302, %broadcast_in_dim3A_327, %select_n3A_325 : vector<128x24xi1>, vector<128x24xf32>
    %reduce_max3A_329 = arith.constant dense<0xFF800000> : vector<128xf32>
    %reduce_max3A_330 = vector.multi_reduction <maximumf>, %select_n3A_328, %reduce_max3A_329 [1] : vector<128x24xf32> to vector<128xf32>
    %broadcast_in_dim3A_331 = vector.shape_cast %reduce_max3A_330 : vector<128xf32> to vector<128x1xf32>
    %sub3A_332 = vector.broadcast %broadcast_in_dim3A_331 : vector<128x1xf32> to vector<128x24xf32>
    %sub3A_333 = arith.subf %select_n3A_328, %sub3A_332 : vector<128x24xf32>
    %exp3A_334 = math.exp %sub3A_333 : vector<128x24xf32>
    %reduce_sum3A_335 = arith.constant dense<0.000000e+00> : vector<128xf32>
    %reduce_sum3A_336 = vector.multi_reduction <add>, %exp3A_334, %reduce_sum3A_335 [1] : vector<128x24xf32> to vector<128xf32>
    %broadcast_in_dim3A_337 = vector.shape_cast %reduce_sum3A_336 : vector<128xf32> to vector<128x1xf32>
    %div3A_338 = vector.broadcast %broadcast_in_dim3A_337 : vector<128x1xf32> to vector<128x24xf32>
    %div3A_339 = arith.divf %exp3A_334, %div3A_338 : vector<128x24xf32>
    %broadcast_in_dim3A_340 = vector.shape_cast %div3A_339 : vector<128x24xf32> to vector<128x24x1xf32>
    %mul3A_341 = vector.broadcast %broadcast_in_dim3A_340 : vector<128x24x1xf32> to vector<128x24x128xf32>
    %mul3A_342 = arith.mulf %get3A_230, %mul3A_341 : vector<128x24x128xf32>
    %reduce_sum3A_343 = arith.constant dense<0.000000e+00> : vector<128x128xf32>
    %reduce_sum3A_344 = vector.multi_reduction <add>, %mul3A_342, %reduce_sum3A_343 [1] : vector<128x24x128xf32> to vector<128x128xf32>
    %mul3A_345 = vector.broadcast %broadcast_in_dim3A_340 : vector<128x24x1xf32> to vector<128x24x128xf32>
    %mul3A_346 = arith.mulf %sub3A_295, %mul3A_345 : vector<128x24x128xf32>
    %reduce_sum3A_347 = arith.constant dense<0.000000e+00> : vector<128x128xf32>
    %reduce_sum3A_348 = vector.multi_reduction <add>, %mul3A_346, %reduce_sum3A_347 [1] : vector<128x24x128xf32> to vector<128x128xf32>
    %slice3A_349 = vector.extract_strided_slice %get3A_239 {offsets = [0, 0], sizes = [256, 128], strides = [1, 1]} : vector<256x256xf32> to vector<256x128xf32>
    %slice3A_350 = vector.extract_strided_slice %slice3A_349 {offsets = [0, 0], sizes = [128, 128], strides = [1, 1]} : vector<256x128xf32> to vector<128x128xf32>
    %dot_general3A_351 = arith.constant dense<0.000000e+00> : vector<128x128xf32>
    %dot_general3A_352 = tpu.matmul %reduce_sum3A_344, %slice3A_350, %dot_general3A_351 {dimension_numbers = #tpu.dot_dimension_numbers<[1], [0], [0], [1], [0, 0, 1, 1], [], []>, transpose_lhs_hint = false} : vector<128x128xf32>, vector<128x128xf32>, vector<128x128xf32> -> vector<128x128xf32>
    %slice3A_353 = vector.extract_strided_slice %slice3A_349 {offsets = [128, 0], sizes = [128, 128], strides = [1, 1]} : vector<256x128xf32> to vector<128x128xf32>
    %dot_general3A_354 = arith.constant dense<0.000000e+00> : vector<128x128xf32>
    %dot_general3A_355 = tpu.matmul %reduce_sum3A_348, %slice3A_353, %dot_general3A_354 {dimension_numbers = #tpu.dot_dimension_numbers<[1], [0], [0], [1], [0, 0, 1, 1], [], []>, transpose_lhs_hint = false} : vector<128x128xf32>, vector<128x128xf32>, vector<128x128xf32> -> vector<128x128xf32>
    %add3A_356 = arith.addf %dot_general3A_352, %dot_general3A_355 : vector<128x128xf32>
    %slice3A_357 = vector.extract_strided_slice %dot_general3A_258 {offsets = [0, 128], sizes = [128, 128], strides = [1, 1]} : vector<128x256xf32> to vector<128x128xf32>
    %slice3A_358 = vector.extract_strided_slice %get3A_236 {offsets = [0, 128], sizes = [256, 128], strides = [1, 1]} : vector<256x256xf32> to vector<256x128xf32>
    %dot_general3A_359 = arith.constant dense<0.000000e+00> : vector<128x256xf32>
    %dot_general3A_360 = tpu.matmul %slice3A_357, %slice3A_358, %dot_general3A_359 {dimension_numbers = #tpu.dot_dimension_numbers<[1], [1], [0], [0], [0, 0, 1, 0], [], []>, transpose_lhs_hint = false} : vector<128x128xf32>, vector<256x128xf32>, vector<128x256xf32> -> vector<128x256xf32>
    %slice3A_361 = vector.extract_strided_slice %dot_general3A_360 {offsets = [0, 0], sizes = [128, 128], strides = [1, 1]} : vector<128x256xf32> to vector<128x128xf32>
    %slice3A_362 = vector.extract_strided_slice %dot_general3A_360 {offsets = [0, 128], sizes = [128, 128], strides = [1, 1]} : vector<128x256xf32> to vector<128x128xf32>
    %broadcast_in_dim3A_363 = vector.shape_cast %slice3A_361 : vector<128x128xf32> to vector<128x1x128xf32>
    %mul3A_364 = vector.broadcast %broadcast_in_dim3A_363 : vector<128x1x128xf32> to vector<128x24x128xf32>
    %mul3A_365 = arith.mulf %get3A_230, %mul3A_364 : vector<128x24x128xf32>
    %reduce_sum3A_366 = arith.constant dense<0.000000e+00> : vector<128x24xf32>
    %reduce_sum3A_367 = vector.multi_reduction <add>, %mul3A_365, %reduce_sum3A_366 [2] : vector<128x24x128xf32> to vector<128x24xf32>
    %broadcast_in_dim3A_368 = vector.shape_cast %slice3A_362 : vector<128x128xf32> to vector<128x1x128xf32>
    %mul3A_369 = vector.broadcast %broadcast_in_dim3A_368 : vector<128x1x128xf32> to vector<128x24x128xf32>
    %mul3A_370 = arith.mulf %sub3A_295, %mul3A_369 : vector<128x24x128xf32>
    %reduce_sum3A_371 = arith.constant dense<0.000000e+00> : vector<128x24xf32>
    %reduce_sum3A_372 = vector.multi_reduction <add>, %mul3A_370, %reduce_sum3A_371 [2] : vector<128x24x128xf32> to vector<128x24xf32>
    %add3A_373 = arith.addf %reduce_sum3A_367, %reduce_sum3A_372 : vector<128x24xf32>
    %mul3A_374 = arith.constant 0.0883883461 : f32
    %mul3A_375 = vector.broadcast %mul3A_374 : f32 to vector<128x24xf32>
    %mul3A_376 = arith.mulf %add3A_373, %mul3A_375 : vector<128x24xf32>
    %jit3A_377 = arith.constant -1.000000e+10 : f32
    %broadcast_in_dim3A_378 = vector.broadcast %jit3A_377 : f32 to vector<128x24xf32>
    %select_n3A_379 = arith.select %eq3A_298, %broadcast_in_dim3A_378, %mul3A_376 : vector<128x24xi1>, vector<128x24xf32>
    %jit3A_380 = arith.constant 0xFF800000 : f32
    %broadcast_in_dim3A_381 = vector.broadcast %jit3A_380 : f32 to vector<128x24xf32>
    %select_n3A_382 = arith.select %ge3A_302, %broadcast_in_dim3A_381, %select_n3A_379 : vector<128x24xi1>, vector<128x24xf32>
    %reduce_max3A_383 = arith.constant dense<0xFF800000> : vector<128xf32>
    %reduce_max3A_384 = vector.multi_reduction <maximumf>, %select_n3A_382, %reduce_max3A_383 [1] : vector<128x24xf32> to vector<128xf32>
    %broadcast_in_dim3A_385 = vector.shape_cast %reduce_max3A_384 : vector<128xf32> to vector<128x1xf32>
    %sub3A_386 = vector.broadcast %broadcast_in_dim3A_385 : vector<128x1xf32> to vector<128x24xf32>
    %sub3A_387 = arith.subf %select_n3A_382, %sub3A_386 : vector<128x24xf32>
    %exp3A_388 = math.exp %sub3A_387 : vector<128x24xf32>
    %reduce_sum3A_389 = arith.constant dense<0.000000e+00> : vector<128xf32>
    %reduce_sum3A_390 = vector.multi_reduction <add>, %exp3A_388, %reduce_sum3A_389 [1] : vector<128x24xf32> to vector<128xf32>
    %broadcast_in_dim3A_391 = vector.shape_cast %reduce_sum3A_390 : vector<128xf32> to vector<128x1xf32>
    %div3A_392 = vector.broadcast %broadcast_in_dim3A_391 : vector<128x1xf32> to vector<128x24xf32>
    %div3A_393 = arith.divf %exp3A_388, %div3A_392 : vector<128x24xf32>
    %broadcast_in_dim3A_394 = vector.shape_cast %div3A_393 : vector<128x24xf32> to vector<128x24x1xf32>
    %mul3A_395 = vector.broadcast %broadcast_in_dim3A_394 : vector<128x24x1xf32> to vector<128x24x128xf32>
    %mul3A_396 = arith.mulf %get3A_230, %mul3A_395 : vector<128x24x128xf32>
    %reduce_sum3A_397 = arith.constant dense<0.000000e+00> : vector<128x128xf32>
    %reduce_sum3A_398 = vector.multi_reduction <add>, %mul3A_396, %reduce_sum3A_397 [1] : vector<128x24x128xf32> to vector<128x128xf32>
    %mul3A_399 = vector.broadcast %broadcast_in_dim3A_394 : vector<128x24x1xf32> to vector<128x24x128xf32>
    %mul3A_400 = arith.mulf %sub3A_295, %mul3A_399 : vector<128x24x128xf32>
    %reduce_sum3A_401 = arith.constant dense<0.000000e+00> : vector<128x128xf32>
    %reduce_sum3A_402 = vector.multi_reduction <add>, %mul3A_400, %reduce_sum3A_401 [1] : vector<128x24x128xf32> to vector<128x128xf32>
    %slice3A_403 = vector.extract_strided_slice %get3A_239 {offsets = [0, 128], sizes = [256, 128], strides = [1, 1]} : vector<256x256xf32> to vector<256x128xf32>
    %slice3A_404 = vector.extract_strided_slice %slice3A_403 {offsets = [0, 0], sizes = [128, 128], strides = [1, 1]} : vector<256x128xf32> to vector<128x128xf32>
    %dot_general3A_405 = arith.constant dense<0.000000e+00> : vector<128x128xf32>
    %dot_general3A_406 = tpu.matmul %reduce_sum3A_398, %slice3A_404, %dot_general3A_405 {dimension_numbers = #tpu.dot_dimension_numbers<[1], [0], [0], [1], [0, 0, 1, 1], [], []>, transpose_lhs_hint = false} : vector<128x128xf32>, vector<128x128xf32>, vector<128x128xf32> -> vector<128x128xf32>
    %slice3A_407 = vector.extract_strided_slice %slice3A_403 {offsets = [128, 0], sizes = [128, 128], strides = [1, 1]} : vector<256x128xf32> to vector<128x128xf32>
    %dot_general3A_408 = arith.constant dense<0.000000e+00> : vector<128x128xf32>
    %dot_general3A_409 = tpu.matmul %reduce_sum3A_402, %slice3A_407, %dot_general3A_408 {dimension_numbers = #tpu.dot_dimension_numbers<[1], [0], [0], [1], [0, 0, 1, 1], [], []>, transpose_lhs_hint = false} : vector<128x128xf32>, vector<128x128xf32>, vector<128x128xf32> -> vector<128x128xf32>
    %add3A_410 = arith.addf %dot_general3A_406, %dot_general3A_409 : vector<128x128xf32>
    %concatenate3A_411 = tpu.concatenate %add3A_356, %add3A_410 in 1 : vector<128x128xf32>, vector<128x128xf32> -> vector<128x256xf32>
    %concatenate3A_412 = tpu.concatenate %concatenate3A_411, %add3A_226 in 1 : vector<128x256xf32>, vector<128x128xf32> -> vector<128x384xf32>
    %dot_general3A_413 = arith.constant dense<0.000000e+00> : vector<128x128xf32>
    %dot_general3A_414 = tpu.matmul %concatenate3A_412, %get3A_242, %dot_general3A_413 {dimension_numbers = #tpu.dot_dimension_numbers<[1], [0], [0], [1], [0, 0, 1, 1], [], []>, transpose_lhs_hint = false} : vector<128x384xf32>, vector<384x128xf32>, vector<128x128xf32> -> vector<128x128xf32>
    %add3A_415 = vector.broadcast %get3A_245 : vector<1x128xf32> to vector<128x128xf32>
    %add3A_416 = arith.addf %dot_general3A_414, %add3A_415 : vector<128x128xf32>
    %max3A_417 = arith.constant 0.000000e+00 : f32
    %max3A_418 = vector.broadcast %max3A_417 : f32 to vector<128x128xf32>
    %max3A_419 = arith.maximumf %add3A_416, %max3A_418 : vector<128x128xf32>
    %dot_general3A_420 = arith.constant dense<0.000000e+00> : vector<128x128xf32>
    %dot_general3A_421 = tpu.matmul %max3A_419, %get3A_248, %dot_general3A_420 {dimension_numbers = #tpu.dot_dimension_numbers<[1], [0], [0], [1], [0, 0, 1, 1], [], []>, transpose_lhs_hint = false} : vector<128x128xf32>, vector<128x128xf32>, vector<128x128xf32> -> vector<128x128xf32>
    %add3A_422 = vector.broadcast %get3A_251 : vector<1x128xf32> to vector<128x128xf32>
    %add3A_423 = arith.addf %dot_general3A_421, %add3A_422 : vector<128x128xf32>
    %swap3A = arith.constant 0 : index
    %swap3A_424 = arith.constant 0 : index
    %swap3A_425 = vector.load %arg25[%swap3A, %swap3A_424] : memref<128x128xf32, #tpu.memory_space<vmem>>, vector<128x128xf32>
    tpu.vector_store %arg25[%swap3A, %swap3A_424], %add3A_423 {strides = array<i32>} : memref<128x128xf32, #tpu.memory_space<vmem>>, vector<128x128xf32>,
    return
  }
  func.func @transform_0(%arg0: i32) -> (i32, i32) {
    %c0_i32 = arith.constant 0 : i32
    %c0_i32_0 = arith.constant 0 : i32
    return %arg0, %c0_i32 : i32, i32
  }
  func.func @transform_1(%arg0: i32) -> (i32, i32, i32) {
    %c0_i32 = arith.constant 0 : i32
    %c0_i32_0 = arith.constant 0 : i32
    %c0_i32_1 = arith.constant 0 : i32
    return %arg0, %c0_i32, %c0_i32_0 : i32, i32, i32
  }
  func.func @transform_2(%arg0: i32) -> (i32, i32, i32) {
    %c0_i32 = arith.constant 0 : i32
    %c0_i32_0 = arith.constant 0 : i32
    %c0_i32_1 = arith.constant 0 : i32
    return %arg0, %c0_i32, %c0_i32_0 : i32, i32, i32
  }
  func.func @transform_3(%arg0: i32) -> (i32, i32) {
    %c0_i32 = arith.constant 0 : i32
    %c0_i32_0 = arith.constant 0 : i32
    return %arg0, %c0_i32 : i32, i32
  }
  func.func @transform_4(%arg0: i32) -> (i32, i32) {
    %c0_i32 = arith.constant 0 : i32
    %c0_i32_0 = arith.constant 0 : i32
    return %arg0, %c0_i32 : i32, i32
  }
  func.func @transform_5(%arg0: i32) -> (i32, i32) {
    %c0_i32 = arith.constant 0 : i32
    %c0_i32_0 = arith.constant 0 : i32
    return %arg0, %c0_i32 : i32, i32
  }
  func.func @transform_6(%arg0: i32) -> (i32, i32) {
    %c0_i32 = arith.constant 0 : i32
    %c0_i32_0 = arith.constant 0 : i32
    %c0_i32_1 = arith.constant 0 : i32
    return %c0_i32, %c0_i32_0 : i32, i32
  }
  func.func @transform_7(%arg0: i32) -> (i32, i32) {
    %c0_i32 = arith.constant 0 : i32
    %c0_i32_0 = arith.constant 0 : i32
    %c0_i32_1 = arith.constant 0 : i32
    return %c0_i32, %c0_i32_0 : i32, i32
  }
  func.func @transform_8(%arg0: i32) -> (i32, i32, i32) {
    %c0_i32 = arith.constant 0 : i32
    %c0_i32_0 = arith.constant 0 : i32
    %c0_i32_1 = arith.constant 0 : i32
    %c0_i32_2 = arith.constant 0 : i32
    return %c0_i32, %c0_i32_0, %c0_i32_1 : i32, i32, i32
  }
  func.func @transform_9(%arg0: i32) -> (i32, i32, i32) {
    %c0_i32 = arith.constant 0 : i32
    %c0_i32_0 = arith.constant 0 : i32
    %c0_i32_1 = arith.constant 0 : i32
    %c0_i32_2 = arith.constant 0 : i32
    return %c0_i32, %c0_i32_0, %c0_i32_1 : i32, i32, i32
  }
  func.func @transform_10(%arg0: i32) -> (i32, i32) {
    %c0_i32 = arith.constant 0 : i32
    %c0_i32_0 = arith.constant 0 : i32
    %c0_i32_1 = arith.constant 0 : i32
    return %c0_i32, %c0_i32_0 : i32, i32
  }
  func.func @transform_11(%arg0: i32) -> (i32, i32) {
    %c0_i32 = arith.constant 0 : i32
    %c0_i32_0 = arith.constant 0 : i32
    %c0_i32_1 = arith.constant 0 : i32
    return %c0_i32, %c0_i32_0 : i32, i32
  }
  func.func @transform_12(%arg0: i32) -> (i32, i32) {
    %c0_i32 = arith.constant 0 : i32
    %c0_i32_0 = arith.constant 0 : i32
    %c0_i32_1 = arith.constant 0 : i32
    return %c0_i32, %c0_i32_0 : i32, i32
  }
  func.func @transform_13(%arg0: i32) -> (i32, i32) {
    %c0_i32 = arith.constant 0 : i32
    %c0_i32_0 = arith.constant 0 : i32
    %c0_i32_1 = arith.constant 0 : i32
    return %c0_i32, %c0_i32_0 : i32, i32
  }
  func.func @transform_14(%arg0: i32) -> (i32, i32) {
    %c0_i32 = arith.constant 0 : i32
    %c0_i32_0 = arith.constant 0 : i32
    %c0_i32_1 = arith.constant 0 : i32
    return %c0_i32, %c0_i32_0 : i32, i32
  }
  func.func @transform_15(%arg0: i32) -> (i32, i32) {
    %c0_i32 = arith.constant 0 : i32
    %c0_i32_0 = arith.constant 0 : i32
    %c0_i32_1 = arith.constant 0 : i32
    return %c0_i32, %c0_i32_0 : i32, i32
  }
  func.func @transform_16(%arg0: i32) -> (i32, i32) {
    %c0_i32 = arith.constant 0 : i32
    %c0_i32_0 = arith.constant 0 : i32
    %c0_i32_1 = arith.constant 0 : i32
    return %c0_i32, %c0_i32_0 : i32, i32
  }
  func.func @transform_17(%arg0: i32) -> (i32, i32) {
    %c0_i32 = arith.constant 0 : i32
    %c0_i32_0 = arith.constant 0 : i32
    %c0_i32_1 = arith.constant 0 : i32
    return %c0_i32, %c0_i32_0 : i32, i32
  }
  func.func @transform_18(%arg0: i32) -> (i32, i32) {
    %c0_i32 = arith.constant 0 : i32
    %c0_i32_0 = arith.constant 0 : i32
    %c0_i32_1 = arith.constant 0 : i32
    return %c0_i32, %c0_i32_0 : i32, i32
  }
  func.func @transform_19(%arg0: i32) -> (i32, i32) {
    %c0_i32 = arith.constant 0 : i32
    %c0_i32_0 = arith.constant 0 : i32
    %c0_i32_1 = arith.constant 0 : i32
    return %c0_i32, %c0_i32_0 : i32, i32
  }
  func.func @transform_20(%arg0: i32) -> (i32, i32) {
    %c0_i32 = arith.constant 0 : i32
    %c0_i32_0 = arith.constant 0 : i32
    %c0_i32_1 = arith.constant 0 : i32
    return %c0_i32, %c0_i32_0 : i32, i32
  }
  func.func @transform_21(%arg0: i32) -> (i32, i32) {
    %c0_i32 = arith.constant 0 : i32
    %c0_i32_0 = arith.constant 0 : i32
    %c0_i32_1 = arith.constant 0 : i32
    return %c0_i32, %c0_i32_0 : i32, i32
  }
  func.func @transform_22(%arg0: i32) -> (i32, i32) {
    %c0_i32 = arith.constant 0 : i32
    %c0_i32_0 = arith.constant 0 : i32
    %c0_i32_1 = arith.constant 0 : i32
    return %c0_i32, %c0_i32_0 : i32, i32
  }
  func.func @transform_23(%arg0: i32) -> (i32, i32) {
    %c0_i32 = arith.constant 0 : i32
    %c0_i32_0 = arith.constant 0 : i32
    %c0_i32_1 = arith.constant 0 : i32
    return %c0_i32, %c0_i32_0 : i32, i32
  }
  func.func @transform_24(%arg0: i32) -> (i32, i32) {
    %c0_i32 = arith.constant 0 : i32
    %c0_i32_0 = arith.constant 0 : i32
    return %arg0, %c0_i32 : i32, i32
  }
}

</mosaic_0001>

<sc_bundles>
// kernel: kernel.10.cloned.1.call-start
scs
__scs_entry_jumppad:
0x0: {  	(pc) =	sbr.rel $0x88, $3  }
0x1: {  	(tag) =	ssettag $0x0;
	lr =	simm.s32 $0x1  }
0x2: {  	[smem:$0x3F88] =	sst lr;
	_ =	strace $0xD0000000  }
0x3: {  	_ = 	snop  }
0x4: {  	_ = 	snop  }
0x5: {  	_ = 	snop  }
0x6: {  	_ = 	snop  }
0x7: {  	_ = 	snop  }
__scs_overlays_trampoline_lowered:
0x8: {  	[smem:$0x3F97] =	sst s0  }
0x9: {  	[smem:$0x3F98] =	sst s1  }
0xa: {  	[smem:$0x3F99] =	sst s2  }
0xb: {  	[smem:$0x3F9A] =	sst s3  }
0xc: {  	[smem:$0x3F9B] =	sst s4  }
0xd: {  	[smem:$0x3F9C] =	sst s5  }
0xe: {  	[smem:$0x3F9D] =	sst s6  }
0xf: {  	[smem:$0x3F9E] =	sst s7  }
0x10: {  	[smem:$0x3F9F] =	sst s8  }
0x11: {  	[smem:$0x3FA0] =	sst s9;
	s0 =	simm.s32 @!p0 $0x0  }
0x12: {  	s1 =	sld [smem:$0x3F86];
	s0 =	simm.s32 @p0 $0x1  }
0x13: {  	[smem:$0x3FA1] =	sst s0;
	s0 =	simm.s32 @!p1 $0x0  }
0x14: {  	s2 =	sld [smem:$0x3F85];
	s0 =	simm.s32 @p1 $0x1  }
0x15: {  	[smem:$0x3FA2] =	sst s0;
	s0 =	simm.s32 @!p2 $0x0  }
0x16: {  	s3 =	sld [smem:$0x3FDB];
	s0 =	simm.s32 @p2 $0x1  }
0x17: {  	s4 =	simm.s32 $0x1BF5;
	[smem:$0x3FA4] =	sst s0  }
0x18: {  	s0 =	sld [smem:$0x3F87];
	_ =	swait.ge [sflag:s4], $0x0  }
0x19: {  	s7 =	sld [smem:$0x3F88]  }
0x1a: {  	s8 =	sadd.s32 $0xFFFFE003, lr  }
0x1b: {  	s9 =	sadd.s32 $0xFFFFFEF7, lr;
	s5 =	simm.s32 $0xFFFFFFFF;
	p2 =	slt.u32 s8, $0xFFFFF086  }
0x1c: {  	p1 =	slt.u32 s9, $0xF7A;
	s5 =	simm.s32 @!p2 $0x0  }
0x1d: {  	s5 =	simm.s32 @p1 $0x1;
	p0 =	seq.s32 s7, s2  }
0x1e: {  	s7 =	smul.u32 @!p0 $0xF7A, s2;
	p2 =	seq.s32 @!p0 s5, $0x0  }
0x1f: {  	s9 =	smul.u32 $0xF7A, s1;
	s8 =	simm.s32 @!p0 $0x1BF5;
	p2 =	por !p2, p0  }
0x20: {  	[sflag:s8] =	ssyncset.s32 @!p0 $0xFFFFF086;
	s6 =	sadd.s32 @!p0 s3, s7;
	s7 =	simm.s32 @!p0 $0x108  }
0x21: {  	s3 =	sadd.s32 s3, s9;
	s6 =	sadd.s32 @!p0 $0x88, s6;
	s7 =	simm.s32 @p2 $0x1082  }
0x22: {  	[simem:s7], [sflag:s8] =	dma.local @!p0 [hbm:s6], $0xF7A  }
0x23: {  	s9 =	sor.u32 $0xD0000000, s2;
	s6 =	simm.s32 $0x108;
	_ =	swait.ge @!p0 [sflag:s8], $0x0  }
0x24: {  	s3 =	sadd.s32 $0x88, s3;
	s6 =	simm.s32 @!p1 $0x1082;
	[sflag:s4] =	ssyncset.s32 $0xFFFFF086  }
0x25: {  	[simem:s6], [sflag:s4] =	dma.local [hbm:s3], $0xF7A  }
0x26: {  	[smem:$0x3F88] =	sst s1;
	(tag) =	ssettag s2;
	_ =	strace s9  }
0x27: {  	s1 =	sld [smem:$0x3F98]  }
0x28: {  	s2 =	sld [smem:$0x3F99]  }
0x29: {  	s4 =	sld [smem:$0x3F9B]  }
0x2a: {  	p0 =	seq.s32 s5, $0x0;
	s5 =	sld [smem:$0x3F9C]  }
0x2b: {  	s6 =	sld [smem:$0x3F9D]  }
0x2c: {  	s7 =	sld [smem:$0x3F9E]  }
0x2d: {  	s3 =	simm.s32 $0x108;
	s8 =	sld [smem:$0x3F9F]  }
0x2e: {  	s3 =	simm.s32 @!p0 $0x1082;
	s9 =	sld [smem:$0x3FA0]  }
0x2f: {  	lr =	sadd.s32 s0, s3;
	s0 =	sld [smem:$0x3F97]  }
0x30: {  	s3 =	sld [smem:$0x3F9A]  }
0x31: {  	[smem:$0x3FA3] =	sst s10  }
0x32: {  	s10 =	sld [smem:$0x3FA1];
	_ =	sdelay $0x3  }
0x33: {  	p0 =	seq.s32 s10, $0x1;
	s10 =	sld [smem:$0x3FA3];
	_ =	sdelay $0x3  }
0x34: {  	[smem:$0x3FA3] =	sst s10  }
0x35: {  	s10 =	sld [smem:$0x3FA2];
	_ =	sdelay $0x3  }
0x36: {  	p1 =	seq.s32 s10, $0x1;
	s10 =	sld [smem:$0x3FA3];
	_ =	sdelay $0x3  }
0x37: {  	[smem:$0x3FA3] =	sst s10  }
0x38: {  	s10 =	sld [smem:$0x3FA4]  }
0x39: {  	_ = 	snop;
	(pc) =	sbr.ind lr, $3  }
0x3a: {  	_ = 	snop  }
0x3b: {  	_ = 	snop  }
0x3c: {  	p2 =	seq.s32 s10, $0x1;
	s10 =	sld [smem:$0x3FA3]  }
0x3d: {  	_ =	shalt  }
0x3e: {  	_ =	shalt  }
0x3f: {  	_ =	shalt  }
0x40: {  	_ =	shalt  }
0x41: {  	_ =	shalt  }
0x42: {  	_ =	shalt  }
0x43: {  	_ =	shalt  }
0x44: {  	_ =	shalt  }
0x45: {  	_ =	shalt  }
0x46: {  	_ =	shalt  }
0x47: {  	_ =	shalt  }
0x48: {  	_ =	shalt  }
0x49: {  	_ =	shalt  }
0x4a: {  	_ =	shalt  }
0x4b: {  	_ =	shalt  }
0x4c: {  	_ =	shalt  }
0x4d: {  	_ =	shalt  }
0x4e: {  	_ =	shalt  }
0x4f: {  	_ =	shalt  }
0x50: {  	_ =	shalt  }
0x51: {  	_ =	shalt  }
0x52: {  	_ =	shalt  }
0x53: {  	_ =	shalt  }
0x54: {  	_ =	shalt  }
0x55: {  	_ =	shalt  }
0x56: {  	_ =	shalt  }
0x57: {  	_ =	shalt  }
0x58: {  	_ =	shalt  }
0x59: {  	_ =	shalt  }
0x5a: {  	_ =	shalt  }
0x5b: {  	_ =	shalt  }
0x5c: {  	_ =	shalt  }
0x5d: {  	_ =	shalt  }
0x5e: {  	_ =	shalt  }
0x5f: {  	_ =	shalt  }
0x60: {  	_ =	shalt  }
0x61: {  	_ =	shalt  }
0x62: {  	_ =	shalt  }
0x63: {  	_ =	shalt  }
0x64: {  	_ =	shalt  }
0x65: {  	_ =	shalt  }
0x66: {  	_ =	shalt  }
0x67: {  	_ =	shalt  }
0x68: {  	_ =	shalt  }
0x69: {  	_ =	shalt  }
0x6a: {  	_ =	shalt  }
0x6b: {  	_ =	shalt  }
0x6c: {  	_ =	shalt  }
0x6d: {  	_ =	shalt  }
0x6e: {  	_ =	shalt  }
0x6f: {  	_ =	shalt  }
0x70: {  	_ =	shalt  }
0x71: {  	_ =	shalt  }
0x72: {  	_ =	shalt  }
0x73: {  	_ =	shalt  }
0x74: {  	_ =	shalt  }
0x75: {  	_ =	shalt  }
0x76: {  	_ =	shalt  }
0x77: {  	_ =	shalt  }
0x78: {  	_ =	shalt  }
0x79: {  	_ =	shalt  }
0x7a: {  	_ =	shalt  }
0x7b: {  	_ =	shalt  }
0x7c: {  	_ =	shalt  }
0x7d: {  	_ =	shalt  }
0x7e: {  	_ =	shalt  }
0x7f: {  	_ =	shalt  }
0x80: {  	_ =	shalt  }
0x81: {  	_ =	shalt  }
0x82: {  	_ =	shalt  }
0x83: {  	_ =	shalt  }
0x84: {  	_ =	shalt  }
0x85: {  	_ =	shalt  }
0x86: {  	_ =	shalt  }
0x87: {  	_ =	shalt  }
.Lfunc_end0:
.L_simem_size_0:
called_computation.1_lowered:
.L_overlay_start_0:
0x88: {  	s2 =	sld [smem:$0x3FD9]  }
0x89: {  	s3 =	sld [smem:$0x3FFE];
	_ =	sdelay $0x1  }
0x8a: {  	s1 =	srdreg.scid  }
0x8b: {  	s0 =	sand.u32 $0x1, s1  }
0x8c: {  	s17 =	sshll.u32 s0, $0xA;
	s2 =	sadd.s32 s3, s2  }
0x8d: {  	s2 =	sadd.s32 s2, s17  }
0x8e: {  	[smem:$0x3FAF] =	sst s2  }
0x8f: {  	_ = 	snop  }
0x90: {  	s18 =	sld [smem:$0x3FC9];
	(tm) =	ssettm $0x1  }
0x91: {  	s19 =	sld [smem:$0x3FFB];
	_ =	sdelay $0x3  }
0x92: {  	_ =	strace s19  }
0x93: {  	s2 =	sld [smem:$0x3FFC];
	_ =	sdelay $0x3  }
0x94: {  	_ =	strace s2  }
0x95: {  	s2 =	sld [smem:$0x3FFD];
	_ =	sdelay $0x3  }
0x96: {  	_ =	strace s2  }
0x97: {  	_ =	strace $0x8FFFFFFF  }
0x98: {  	s20 =	sld [smem:$0x3FDB];
	_ =	sdelay $0x1  }
0x99: {  	s4 =	simm.s32 $_scs_section_size  }
0x9a: {  	s5 =	simm.s32 $_size__tile_overlayer_lowered;
	s6 =	simm.s32 $_tile_overlayer_lowered  }
0x9b: {  	s7 =	simm.s32 $0x1BFF;
	s21 =	sshll.u32 s6, $0x1;
	s4 =	sadd.s32 s4, s20  }
0x9c: {  	s22 =	simm.s32 $0x0;
	s5 =	sshll.u32 s5, $0x1;
	s6 =	sadd.s32 s21, s4  }
0x9d: {  	[timem:s22], [sflag:s7] =	dma.local [hbm:s6], s5  }
0x9e: {  	_ =	swait.ge [sflag:s7], s5  }
0x9f: {  	s5 =	ssub.s32 $0x0, s5;
	[sflag:s7] =	ssyncset.done $0x0  }
0xa0: {  	[sflag:s7] =	ssyncadd.s32 s5;
	_ =	sdelay $0x1  }
0xa1: {  	s23 =	simm.s32 $0x1B8B  }
0xa2: {  	_ =	swait.ge [sflag:s23], $0x1  }
0xa3: {  	[sflag:s23] =	ssyncset.done $0x0  }
0xa4: {  	[sflag:s23] =	ssyncadd.s32 $0xFFFFFFFF  }
0xa5: {  	s5 =	sld [smem:$0x0]  }
0xa6: {  	s6 =	sand.u32 $0xFFFFFFFE, s1  }
0xa7: {  	p0 =	sne.s32 s1, s6  }
0xa8: {  	s6 =	sshll.u32 @p0 s6, $0xE  }
0xa9: {  	s6 =	sadd.s32 @p0 $0x11B8D, s6;
	s7 =	sshll.u32 @p0 s5, $0x11  }
0xaa: {  	s6 =	sor.u32 @p0 s7, s6  }
0xab: {  	[sflag:s6] =	ssyncadd.remote.s32 @p0 $0x1;
	_ =	sdelay $0x1  }
0xac: {  	s6 =	simm.s32 @p0 $0x1B8D  }
0xad: {  	_ =	swait.eq @p0 [sflag:s6], $0x1  }
0xae: {  	[sflag:s6] =	ssyncadd.s32 @p0 $0xFFFFFFFF  }
0xaf: {  	s7 =	sshll.u32 @!p0 s1, $0xE  }
0xb0: {  	s7 =	sor.u32 @!p0 $0x4000, s7;
	s6 =	simm.s32 @!p0 $0x1B8D  }
0xb1: {  	s5 =	sshll.u32 @!p0 s5, $0x11;
	s7 =	sadd.s32 @!p0 $0x11B8D, s7;
	_ =	swait.eq @!p0 [sflag:s6], $0x1  }
0xb2: {  	s5 =	sor.u32 @!p0 s5, s7;
	[sflag:s6] =	ssyncadd.s32 @!p0 $0xFFFFFFFF  }
0xb3: {  	s25 =	simm.s32 $0x1B8E;
	s24 =	sld [smem:$0x3FFE];
	[sflag:s5] =	ssyncadd.remote.s32 @!p0 $0x1  }
0xb4: {  	s26 =	simm.s32 $execute0_lowered;
	[smem:$0x3FD2] =	sst s25  }
0xb5: {  	s6 =	sshll.u32 s26, $0x1;
	_ =	strace $0x80000049;
	[dreg:$0x1] =	wrdreg $0xFFFFFFFF  }
0xb6: {  	s28 =	simm.s32 $_size_execute0_lowered;
	s4 =	sadd.s32 s4, s6;
	[dreg:$0x0] =	wrdreg $0x0  }
0xb7: {  	s6 =	sshll.u32 s28, $0x1;
	[dreg:$0x2] =	wrdreg s4  }
0xb8: {  	[dreg:$0x3] =	wrdreg s6  }
0xb9: {  	[dreg:$0x4] =	wrdreg $0xC0  }
0xba: {  	_ =	task [dreg:s22], $0x5FFFF  }
0xbb: {  	[dreg:$0x1] =	wrdreg $0xFFFFFFFF  }
0xbc: {  	[dreg:$0x0] =	wrdreg $0x60  }
0xbd: {  	[dreg:$0x2] =	wrdreg s18  }
0xbe: {  	[dreg:$0x3] =	wrdreg s24  }
0xbf: {  	[dreg:$0x4] =	wrdreg $0xA  }
0xc0: {  	_ =	task.clear_ibuf [dreg:s22], $0x5FFFF;
	_ =	strace $0x90000049  }
0xc1: {  	s29 =	simm.s32 $0xA;
	_ =	strace $0x8000004B  }
0xc2: {  	_ =	swait.ge [sflag:s29], $0x1  }
0xc3: {  	[sflag:s29] =	ssyncadd.s32 $0xFFFFFFFF  }
0xc4: {  	_ =	strace $0x9000004B  }
0xc5: {  	_ =	sfence  }
0xc6: {  	s30 =	sld [smem:$0x0];
	_ =	sdelay $0x2  }
0xc7: {  	s31 =	sshll.u32 s1, $0xD;
	s1 =	sshrl.u32 s1, $0x2  }
0xc8: {  	s4 =	sand.u32 $0x4000, s31;
	s1 =	sadd.s32 s1, s30  }
0xc9: {  	s0 =	sor.u32 s4, s0;
	s1 =	sshll.u32 s1, $0x11  }
0xca: {  	s0 =	sor.u32 s1, s0  }
0xcb: {  	s0 =	sadd.s32 $0x8F2B, s0  }
0xcc: {  	[sflag:s0] =	ssyncadd.remote.s32 $0x1  }
0xcd: {  	_ =	sfence.sel $0xFFFF  }
0xce: {  	[dreg:$0x0] =	wrdreg $0xFFFFFFFF;
	(pc) =	sbr.abs _section_cstart, $3  }
0xcf: {  	[dreg:$0x1] =	wrdreg $0xFFFFFFFF  }
0xd0: {  	_ =	task.clear_ibuf [dreg:s22], $0x2FFFF;
	_ =	strace $0x9FFFFFFF  }
0xd1: {  	(tm) =	ssettm $0x7FFFFFFF  }
tec
execute0_lowered:
.L_overlay_start_1:
0x0: {  	(tag) =	ssettag $0x1  }
0x1: {  	s2 =	rddreg [dreg:$0x0]  }
0x2: {  	s4 =	rddreg [dreg:$0x1]  }
0x3: {  	s0 =	rddreg [dreg:$0x2];
	s1 =	stileid.u32  }
0x4: {  	s5 =	srdreg.scid;
	s3 =	simm.s32 $0x0;
	s6 =	smul.u32 $0x2100, s1  }
0x5: {  	s10 =	simm.s32 $0x0;
	s5 =	sand.u32 $0x1, s5;
	s8 =	smul.u32 $0x21000, s1  }
0x6: {  	[smem:$0x7FF] =	sst s3;
	s7 =	smul.u32 $0x1080, s5;
	s9 =	ssub.s32 $0x2, s5  }
0x7: {  	_ =	strace $0x8000004A;
	s5 =	smul.u32 $0x10800, s5;
	s31 =	sshrl.u32 s9, $0x1  }
0x8: {  	s8 =	sadd.s32 s8, s4;
	s6 =	sadd.s32 s7, s6;
	s7 =	ssub.s32 s9, s31  }
0x9: {  	s5 =	sadd.s32 s5, s8;
	s8 =	simm.s32 $0x80;
	s6 =	sshrl.u32 s6, $0x3  }
0xa: {  	s9 =	simm.s32 $0x1;
	s5 =	sadd.s32 $0x245000, s5;
	s6 =	sadd.s32 s6, s4  }
0xb: {  	s4 =	smax.u32 s7, $0x1;
	s7 =	simm.s32 $0x2;
	s6 =	sadd.s32 $0x240E00, s6  }
.LBB2_1:
0xc: {  	s11 =	sadd.s32 $0x0, s6  }
0xd: {  	[tilespmem:s3], [sflag:$0x2] =	stream.linear.gather [hbm4b:s11+s3], $0x80, $0x38;
	[tilespmem:$0x4080] =	vst v63  }
0xe: {  	_ =	swait.ge [sflag:s7], $0x80  }
0xf: {  	[sflag:s7] =	ssyncset.done $0x0  }
0x10: {  	[sflag:s7] =	ssyncadd.s32 $0xFFFFFF80  }
0x11: {  	[tilespmem:s8], [sflag:$0x1] =	stream.indirect.gather [hbm4b:s2+s8], $0x80, s3, s8, $0xb8;
	[tilespmem:$0x4080] =	vst v63  }
0x12: {  	_ =	swait.ge [sflag:s9], $0x4000  }
0x13: {  	[sflag:s9] =	ssyncset.done $0x0  }
0x14: {  	[sflag:s9] =	ssyncadd.s32 $0xFFFFC000  }
0x15: {  	[hbm4b:s5+s3] =	stream.linear.scatter [tilespmem:s8], [sflag:$0x2], $0x4000, $0x38;
	[tilespmem:$0x4080] =	vst v63  }
0x16: {  	s12 =	simm.s32 $0x10;
	_ =	swait.ge [sflag:s7], $0x4000  }
0x17: {  	s13 =	simm.s32 $0x20;
	s11 =	sadd.s32 $0x800, s5;
	[sflag:s7] =	ssyncset.done $0x0  }
.LBB2_2:
0x18: {  	s14 =	sadd.s32 s12, s6  }
0x19: {  	[sflag:s7] =	ssyncadd.s32 $0xFFFFC000;
	s12 =	smov.u32 s13;
	s15 =	sadd.s32 $0x10, s13  }
0x1a: {  	[tilespmem:s3], [sflag:$0x2] =	stream.linear.gather [hbm4b:s14+s3], $0x80, $0x38;
	[tilespmem:$0x4080] =	vst v63  }
0x1b: {  	p0 =	sne.s32 s13, $0x200;
	_ =	swait.ge [sflag:s7], $0x80  }
0x1c: {  	[sflag:s7] =	ssyncset.done $0x0  }
0x1d: {  	[sflag:s7] =	ssyncadd.s32 $0xFFFFFF80  }
0x1e: {  	[tilespmem:s8], [sflag:$0x1] =	stream.indirect.gather [hbm4b:s2+s8], $0x80, s3, s8, $0xb8;
	[tilespmem:$0x4080] =	vst v63  }
0x1f: {  	_ =	swait.ge [sflag:s9], $0x4000  }
.Ltmp0:
0x20: {  	[sflag:s9] =	ssyncset.done $0x0;
	(pc) =	sbr.rel @p0 .LBB2_2-.Ltmp0, $4  }
0x21: {  	[sflag:s9] =	ssyncadd.s32 $0xFFFFC000  }
0x22: {  	[hbm4b:s11+s3] =	stream.linear.scatter [tilespmem:s8], [sflag:$0x2], $0x4000, $0x38;
	[tilespmem:$0x4080] =	vst v63  }
0x23: {  	_ =	swait.ge [sflag:s7], $0x4000  }
0x24: {  	s13 =	smov.u32 s15;
	s11 =	sadd.s32 $0x800, s11;
	[sflag:s7] =	ssyncset.done $0x0  }
0x25: {  	s12 =	sadd.s32 s12, s6;
	[sflag:s7] =	ssyncadd.s32 $0xFFFFC000  }
0x26: {  	[tilespmem:s3], [sflag:$0x2] =	stream.linear.gather [hbm4b:s12+s3], $0x80, $0x38;
	[tilespmem:$0x4080] =	vst v63  }
0x27: {  	_ =	swait.ge [sflag:s7], $0x80  }
0x28: {  	[sflag:s7] =	ssyncset.done $0x0  }
0x29: {  	[sflag:s7] =	ssyncadd.s32 $0xFFFFFF80  }
0x2a: {  	[tilespmem:s8], [sflag:$0x1] =	stream.indirect.gather [hbm4b:s2+s8], $0x80, s3, s8, $0xb8;
	[tilespmem:$0x4080] =	vst v63  }
0x2b: {  	s10 =	sadd.s32 $0x1, s10;
	_ =	swait.ge [sflag:s9], $0x4000  }
0x2c: {  	p0 =	sne.s32 s10, s4;
	[sflag:s9] =	ssyncset.done $0x0  }
.Ltmp1:
0x2d: {  	[sflag:s9] =	ssyncadd.s32 $0xFFFFC000;
	(pc) =	sbr.rel @p0 .LBB2_1-.Ltmp1, $4  }
0x2e: {  	[hbm4b:s11+s3] =	stream.linear.scatter [tilespmem:s8], [sflag:$0x2], $0x4000, $0x38;
	[tilespmem:$0x4080] =	vst v63  }
0x2f: {  	_ =	swait.ge [sflag:s7], $0x4000  }
0x30: {  	[sflag:s7] =	ssyncset.done $0x0  }
0x31: {  	[sflag:s7] =	ssyncadd.s32 $0xFFFFC000  }
0x32: {  	_ =	sfence.sel $0x180000  }
0x33: {  	[bflag:$0x0] =	sbarrier.arrive $0xFFFF  }
0x34: {  	p0 =	sne.s32 s1, $0x0;
	_ =	strace $0x9000004A  }
0x35: {  	s0 =	sadd.s32 @!p0 $0x100000, s0;
	[bflag:$0x2] =	sbarrier.arrive $0xFFFF  }
0x36: {  	[sflag:s0] =	ssyncadd.tile.s32 @!p0 $0x1;
	_ =	shalt  }
.Lfunc_end2:
_tile_overlayer_lowered:
.L_overlay_start_2:
0x37: {  	(tag) =	ssettag $0x2  }
0x38: {  	s0 =	rddreg [dreg:$0x0];
	s2 =	stileid.u32  }
0x39: {  	s1 =	rddreg [dreg:$0x1];
	p0 =	sne.s32 s2, $0x0  }
0x3a: {  	s3 =	rddreg [dreg:$0x2];
	[bflag:$0x3] =	sbarrier.arrive $0xFFFF;
	s2 =	simm.s32 @!p0 $0x1C02  }
0x3b: {  	[timem:s3], [sflag:s2] =	dma.local @!p0 [hbm:s0], s1  }
0x3c: {  	s0 =	simm.s32 @!p0 $0x2  }
0x3d: {  	_ =	swait.ge @!p0 [sflag:s0], s1  }
0x3e: {  	s1 =	ssub.s32 @!p0 $0x0, s1;
	[sflag:s0] =	ssyncset.done @!p0 $0x0  }
0x3f: {  	[sflag:s0] =	ssyncadd.s32 @!p0 s1  }
0x40: {  	[bflag:$0x3] =	sbarrier.arrive $0xFFFF  }
0x41: {  	_ =	shalt  }

// kernel: kernel.7.cloned.1.call-start
scs
__scs_entry_jumppad:
0x0: {  	(pc) =	sbr.rel $0x88, $3  }
0x1: {  	(tag) =	ssettag $0x0;
	lr =	simm.s32 $0x1  }
0x2: {  	[smem:$0x3F88] =	sst lr;
	_ =	strace $0xD0000000  }
0x3: {  	_ = 	snop  }
0x4: {  	_ = 	snop  }
0x5: {  	_ = 	snop  }
0x6: {  	_ = 	snop  }
0x7: {  	_ = 	snop  }
__scs_overlays_trampoline_lowered:
0x8: {  	[smem:$0x3F97] =	sst s0  }
0x9: {  	[smem:$0x3F98] =	sst s1  }
0xa: {  	[smem:$0x3F99] =	sst s2  }
0xb: {  	[smem:$0x3F9A] =	sst s3  }
0xc: {  	[smem:$0x3F9B] =	sst s4  }
0xd: {  	[smem:$0x3F9C] =	sst s5  }
0xe: {  	[smem:$0x3F9D] =	sst s6  }
0xf: {  	[smem:$0x3F9E] =	sst s7  }
0x10: {  	[smem:$0x3F9F] =	sst s8  }
0x11: {  	[smem:$0x3FA0] =	sst s9;
	s0 =	simm.s32 @!p0 $0x0  }
0x12: {  	s1 =	sld [smem:$0x3F86];
	s0 =	simm.s32 @p0 $0x1  }
0x13: {  	[smem:$0x3FA1] =	sst s0;
	s0 =	simm.s32 @!p1 $0x0  }
0x14: {  	s2 =	sld [smem:$0x3F85];
	s0 =	simm.s32 @p1 $0x1  }
0x15: {  	[smem:$0x3FA2] =	sst s0;
	s0 =	simm.s32 @!p2 $0x0  }
0x16: {  	s3 =	sld [smem:$0x3FDB];
	s0 =	simm.s32 @p2 $0x1  }
0x17: {  	s4 =	simm.s32 $0x1BF5;
	[smem:$0x3FA4] =	sst s0  }
0x18: {  	s0 =	sld [smem:$0x3F87];
	_ =	swait.ge [sflag:s4], $0x0  }
0x19: {  	s7 =	sld [smem:$0x3F88]  }
0x1a: {  	s8 =	sadd.s32 $0xFFFFE003, lr  }
0x1b: {  	s9 =	sadd.s32 $0xFFFFFEF7, lr;
	s5 =	simm.s32 $0xFFFFFFFF;
	p2 =	slt.u32 s8, $0xFFFFF086  }
0x1c: {  	p1 =	slt.u32 s9, $0xF7A;
	s5 =	simm.s32 @!p2 $0x0  }
0x1d: {  	s5 =	simm.s32 @p1 $0x1;
	p0 =	seq.s32 s7, s2  }
0x1e: {  	s7 =	smul.u32 @!p0 $0xF7A, s2;
	p2 =	seq.s32 @!p0 s5, $0x0  }
0x1f: {  	s9 =	smul.u32 $0xF7A, s1;
	s8 =	simm.s32 @!p0 $0x1BF5;
	p2 =	por !p2, p0  }
0x20: {  	[sflag:s8] =	ssyncset.s32 @!p0 $0xFFFFF086;
	s6 =	sadd.s32 @!p0 s3, s7;
	s7 =	simm.s32 @!p0 $0x108  }
0x21: {  	s3 =	sadd.s32 s3, s9;
	s6 =	sadd.s32 @!p0 $0x88, s6;
	s7 =	simm.s32 @p2 $0x1082  }
0x22: {  	[simem:s7], [sflag:s8] =	dma.local @!p0 [hbm:s6], $0xF7A  }
0x23: {  	s9 =	sor.u32 $0xD0000000, s2;
	s6 =	simm.s32 $0x108;
	_ =	swait.ge @!p0 [sflag:s8], $0x0  }
0x24: {  	s3 =	sadd.s32 $0x88, s3;
	s6 =	simm.s32 @!p1 $0x1082;
	[sflag:s4] =	ssyncset.s32 $0xFFFFF086  }
0x25: {  	[simem:s6], [sflag:s4] =	dma.local [hbm:s3], $0xF7A  }
0x26: {  	[smem:$0x3F88] =	sst s1;
	(tag) =	ssettag s2;
	_ =	strace s9  }
0x27: {  	s1 =	sld [smem:$0x3F98]  }
0x28: {  	s2 =	sld [smem:$0x3F99]  }
0x29: {  	s4 =	sld [smem:$0x3F9B]  }
0x2a: {  	p0 =	seq.s32 s5, $0x0;
	s5 =	sld [smem:$0x3F9C]  }
0x2b: {  	s6 =	sld [smem:$0x3F9D]  }
0x2c: {  	s7 =	sld [smem:$0x3F9E]  }
0x2d: {  	s3 =	simm.s32 $0x108;
	s8 =	sld [smem:$0x3F9F]  }
0x2e: {  	s3 =	simm.s32 @!p0 $0x1082;
	s9 =	sld [smem:$0x3FA0]  }
0x2f: {  	lr =	sadd.s32 s0, s3;
	s0 =	sld [smem:$0x3F97]  }
0x30: {  	s3 =	sld [smem:$0x3F9A]  }
0x31: {  	[smem:$0x3FA3] =	sst s10  }
0x32: {  	s10 =	sld [smem:$0x3FA1];
	_ =	sdelay $0x3  }
0x33: {  	p0 =	seq.s32 s10, $0x1;
	s10 =	sld [smem:$0x3FA3];
	_ =	sdelay $0x3  }
0x34: {  	[smem:$0x3FA3] =	sst s10  }
0x35: {  	s10 =	sld [smem:$0x3FA2];
	_ =	sdelay $0x3  }
0x36: {  	p1 =	seq.s32 s10, $0x1;
	s10 =	sld [smem:$0x3FA3];
	_ =	sdelay $0x3  }
0x37: {  	[smem:$0x3FA3] =	sst s10  }
0x38: {  	s10 =	sld [smem:$0x3FA4]  }
0x39: {  	_ = 	snop;
	(pc) =	sbr.ind lr, $3  }
0x3a: {  	_ = 	snop  }
0x3b: {  	_ = 	snop  }
0x3c: {  	p2 =	seq.s32 s10, $0x1;
	s10 =	sld [smem:$0x3FA3]  }
0x3d: {  	_ =	shalt  }
0x3e: {  	_ =	shalt  }
0x3f: {  	_ =	shalt  }
0x40: {  	_ =	shalt  }
0x41: {  	_ =	shalt  }
0x42: {  	_ =	shalt  }
0x43: {  	_ =	shalt  }
0x44: {  	_ =	shalt  }
0x45: {  	_ =	shalt  }
0x46: {  	_ =	shalt  }
0x47: {  	_ =	shalt  }
0x48: {  	_ =	shalt  }
0x49: {  	_ =	shalt  }
0x4a: {  	_ =	shalt  }
0x4b: {  	_ =	shalt  }
0x4c: {  	_ =	shalt  }
0x4d: {  	_ =	shalt  }
0x4e: {  	_ =	shalt  }
0x4f: {  	_ =	shalt  }
0x50: {  	_ =	shalt  }
0x51: {  	_ =	shalt  }
0x52: {  	_ =	shalt  }
0x53: {  	_ =	shalt  }
0x54: {  	_ =	shalt  }
0x55: {  	_ =	shalt  }
0x56: {  	_ =	shalt  }
0x57: {  	_ =	shalt  }
0x58: {  	_ =	shalt  }
0x59: {  	_ =	shalt  }
0x5a: {  	_ =	shalt  }
0x5b: {  	_ =	shalt  }
0x5c: {  	_ =	shalt  }
0x5d: {  	_ =	shalt  }
0x5e: {  	_ =	shalt  }
0x5f: {  	_ =	shalt  }
0x60: {  	_ =	shalt  }
0x61: {  	_ =	shalt  }
0x62: {  	_ =	shalt  }
0x63: {  	_ =	shalt  }
0x64: {  	_ =	shalt  }
0x65: {  	_ =	shalt  }
0x66: {  	_ =	shalt  }
0x67: {  	_ =	shalt  }
0x68: {  	_ =	shalt  }
0x69: {  	_ =	shalt  }
0x6a: {  	_ =	shalt  }
0x6b: {  	_ =	shalt  }
0x6c: {  	_ =	shalt  }
0x6d: {  	_ =	shalt  }
0x6e: {  	_ =	shalt  }
0x6f: {  	_ =	shalt  }
0x70: {  	_ =	shalt  }
0x71: {  	_ =	shalt  }
0x72: {  	_ =	shalt  }
0x73: {  	_ =	shalt  }
0x74: {  	_ =	shalt  }
0x75: {  	_ =	shalt  }
0x76: {  	_ =	shalt  }
0x77: {  	_ =	shalt  }
0x78: {  	_ =	shalt  }
0x79: {  	_ =	shalt  }
0x7a: {  	_ =	shalt  }
0x7b: {  	_ =	shalt  }
0x7c: {  	_ =	shalt  }
0x7d: {  	_ =	shalt  }
0x7e: {  	_ =	shalt  }
0x7f: {  	_ =	shalt  }
0x80: {  	_ =	shalt  }
0x81: {  	_ =	shalt  }
0x82: {  	_ =	shalt  }
0x83: {  	_ =	shalt  }
0x84: {  	_ =	shalt  }
0x85: {  	_ =	shalt  }
0x86: {  	_ =	shalt  }
0x87: {  	_ =	shalt  }
.Lfunc_end0:
.L_simem_size_0:
called_computation_lowered:
.L_overlay_start_0:
0x88: {  	s2 =	sld [smem:$0x3FD9]  }
0x89: {  	s3 =	sld [smem:$0x3FFE];
	_ =	sdelay $0x1  }
0x8a: {  	s1 =	srdreg.scid  }
0x8b: {  	s0 =	sand.u32 $0x1, s1  }
0x8c: {  	s17 =	sshll.u32 s0, $0xA;
	s2 =	sadd.s32 s3, s2  }
0x8d: {  	s2 =	sadd.s32 s2, s17  }
0x8e: {  	[smem:$0x3FAF] =	sst s2  }
0x8f: {  	_ = 	snop  }
0x90: {  	s2 =	sld [smem:$0x3FC9];
	(tm) =	ssettm $0x1  }
0x91: {  	s18 =	sld [smem:$0x3FFB];
	_ =	sdelay $0x3  }
0x92: {  	_ =	strace s18  }
0x93: {  	s3 =	sld [smem:$0x3FFC];
	_ =	sdelay $0x3  }
0x94: {  	_ =	strace s3  }
0x95: {  	s3 =	sld [smem:$0x3FFD];
	_ =	sdelay $0x3  }
0x96: {  	_ =	strace s3  }
0x97: {  	_ =	strace $0x8FFFFFFF  }
0x98: {  	s19 =	sld [smem:$0x3FDB];
	_ =	sdelay $0x1  }
0x99: {  	s4 =	simm.s32 $_scs_section_size  }
0x9a: {  	s5 =	simm.s32 $_size__tile_overlayer_lowered;
	s6 =	simm.s32 $_tile_overlayer_lowered  }
0x9b: {  	s22 =	simm.s32 $0x1BFF;
	s21 =	sshll.u32 s6, $0x1;
	s3 =	sadd.s32 s4, s19  }
0x9c: {  	s7 =	simm.s32 $0x0;
	s20 =	sshll.u32 s5, $0x1;
	s5 =	sadd.s32 s21, s3  }
0x9d: {  	[timem:s7], [sflag:s22] =	dma.local [hbm:s5], s20  }
0x9e: {  	_ =	swait.ge [sflag:s22], s20  }
0x9f: {  	s4 =	ssub.s32 $0x0, s20;
	[sflag:s22] =	ssyncset.done $0x0  }
0xa0: {  	[sflag:s22] =	ssyncadd.s32 s4;
	_ =	sdelay $0x1  }
0xa1: {  	s23 =	simm.s32 $0x1B8B  }
0xa2: {  	_ =	swait.ge [sflag:s23], $0x1  }
0xa3: {  	[sflag:s23] =	ssyncset.done $0x0  }
0xa4: {  	s25 =	simm.s32 $0x1B8E;
	s24 =	sld [smem:$0x3FFE];
	[sflag:s23] =	ssyncadd.s32 $0xFFFFFFFF  }
0xa5: {  	s26 =	simm.s32 $execute0_lowered;
	[smem:$0x3FD2] =	sst s25  }
0xa6: {  	s5 =	sshll.u32 s26, $0x1;
	_ =	strace $0x80000046;
	[dreg:$0x1] =	wrdreg $0xFFFFFFFF  }
0xa7: {  	s28 =	simm.s32 $_size_execute0_lowered;
	s3 =	sadd.s32 s3, s5;
	[dreg:$0x0] =	wrdreg $0x0  }
0xa8: {  	s5 =	sshll.u32 s28, $0x1;
	[dreg:$0x2] =	wrdreg s3  }
0xa9: {  	[dreg:$0x3] =	wrdreg s5  }
0xaa: {  	[dreg:$0x4] =	wrdreg $0xC0  }
0xab: {  	_ =	task [dreg:s7], $0x5FFFF  }
0xac: {  	[dreg:$0x1] =	wrdreg $0xFFFFFFFF  }
0xad: {  	[dreg:$0x0] =	wrdreg $0x60  }
0xae: {  	[dreg:$0x2] =	wrdreg s2  }
0xaf: {  	[dreg:$0x3] =	wrdreg s24  }
0xb0: {  	[dreg:$0x4] =	wrdreg $0x9  }
0xb1: {  	_ =	task.clear_ibuf [dreg:s7], $0x5FFFF;
	_ =	strace $0x90000046  }
0xb2: {  	s29 =	simm.s32 $0x9;
	_ =	strace $0x80000048  }
0xb3: {  	_ =	swait.ge [sflag:s29], $0x1  }
0xb4: {  	[sflag:s29] =	ssyncadd.s32 $0xFFFFFFFF  }
0xb5: {  	_ =	strace $0x90000048  }
0xb6: {  	_ =	sfence  }
0xb7: {  	s30 =	sld [smem:$0x0];
	_ =	sdelay $0x2  }
0xb8: {  	s31 =	sshll.u32 s1, $0xD;
	s1 =	sshrl.u32 s1, $0x2  }
0xb9: {  	s3 =	sand.u32 $0x4000, s31;
	s1 =	sadd.s32 s1, s30  }
0xba: {  	s0 =	sor.u32 s3, s0;
	s1 =	sshll.u32 s1, $0x11  }
0xbb: {  	s0 =	sor.u32 s1, s0  }
0xbc: {  	s0 =	sadd.s32 $0x8F2B, s0  }
0xbd: {  	[sflag:s0] =	ssyncadd.remote.s32 $0x1  }
0xbe: {  	_ =	sfence.sel $0xFFFF  }
0xbf: {  	[dreg:$0x0] =	wrdreg $0xFFFFFFFF;
	(pc) =	sbr.abs _section_cstart, $3  }
0xc0: {  	[dreg:$0x1] =	wrdreg $0xFFFFFFFF  }
0xc1: {  	_ =	task.clear_ibuf [dreg:s7], $0x2FFFF;
	_ =	strace $0x9FFFFFFF  }
0xc2: {  	(tm) =	ssettm $0x7FFFFFFF  }
0xc3: {  	_ =	shalt  }
tec
execute0_lowered:
.L_overlay_start_1:
0x0: {  	(tag) =	ssettag $0x1  }
0x1: {  	s2 =	rddreg [dreg:$0x0]  }
0x2: {  	s4 =	rddreg [dreg:$0x1]  }
0x3: {  	s0 =	rddreg [dreg:$0x2];
	s1 =	stileid.u32  }
0x4: {  	s5 =	srdreg.scid;
	s3 =	simm.s32 $0x0;
	s6 =	smul.u32 $0x2100, s1  }
0x5: {  	s10 =	simm.s32 $0x0;
	s5 =	sand.u32 $0x1, s5;
	s8 =	smul.u32 $0x21000, s1  }
0x6: {  	[smem:$0x7FF] =	sst s3;
	s7 =	smul.u32 $0x1080, s5;
	s9 =	ssub.s32 $0x2, s5  }
0x7: {  	_ =	strace $0x80000047;
	s5 =	smul.u32 $0x10800, s5;
	s31 =	sshrl.u32 s9, $0x1  }
0x8: {  	s8 =	sadd.s32 s8, s4;
	s6 =	sadd.s32 s7, s6;
	s7 =	ssub.s32 s9, s31  }
0x9: {  	s5 =	sadd.s32 s5, s8;
	s8 =	simm.s32 $0x80;
	s6 =	sshrl.u32 s6, $0x3  }
0xa: {  	s9 =	simm.s32 $0x1;
	s5 =	sadd.s32 $0x1CE00, s5;
	s6 =	sadd.s32 s6, s4  }
0xb: {  	s4 =	smax.u32 s7, $0x1;
	s7 =	simm.s32 $0x2;
	s6 =	sadd.s32 $0x18C00, s6  }
.LBB2_1:
0xc: {  	s11 =	sadd.s32 $0x0, s6  }
0xd: {  	[tilespmem:s3], [sflag:$0x2] =	stream.linear.gather [hbm4b:s11+s3], $0x80, $0x38;
	[tilespmem:$0x4080] =	vst v63  }
0xe: {  	_ =	swait.ge [sflag:s7], $0x80  }
0xf: {  	[sflag:s7] =	ssyncset.done $0x0  }
0x10: {  	[sflag:s7] =	ssyncadd.s32 $0xFFFFFF80  }
0x11: {  	[tilespmem:s8], [sflag:$0x1] =	stream.indirect.gather [hbm4b:s2+s8], $0x80, s3, s8, $0xb8;
	[tilespmem:$0x4080] =	vst v63  }
0x12: {  	_ =	swait.ge [sflag:s9], $0x4000  }
0x13: {  	[sflag:s9] =	ssyncset.done $0x0  }
0x14: {  	[sflag:s9] =	ssyncadd.s32 $0xFFFFC000  }
0x15: {  	[hbm4b:s5+s3] =	stream.linear.scatter [tilespmem:s8], [sflag:$0x2], $0x4000, $0x38;
	[tilespmem:$0x4080] =	vst v63  }
0x16: {  	s12 =	simm.s32 $0x10;
	_ =	swait.ge [sflag:s7], $0x4000  }
0x17: {  	s13 =	simm.s32 $0x20;
	s11 =	sadd.s32 $0x800, s5;
	[sflag:s7] =	ssyncset.done $0x0  }
.LBB2_2:
0x18: {  	s14 =	sadd.s32 s12, s6  }
0x19: {  	[sflag:s7] =	ssyncadd.s32 $0xFFFFC000;
	s12 =	smov.u32 s13;
	s15 =	sadd.s32 $0x10, s13  }
0x1a: {  	[tilespmem:s3], [sflag:$0x2] =	stream.linear.gather [hbm4b:s14+s3], $0x80, $0x38;
	[tilespmem:$0x4080] =	vst v63  }
0x1b: {  	p0 =	sne.s32 s13, $0x200;
	_ =	swait.ge [sflag:s7], $0x80  }
0x1c: {  	[sflag:s7] =	ssyncset.done $0x0  }
0x1d: {  	[sflag:s7] =	ssyncadd.s32 $0xFFFFFF80  }
0x1e: {  	[tilespmem:s8], [sflag:$0x1] =	stream.indirect.gather [hbm4b:s2+s8], $0x80, s3, s8, $0xb8;
	[tilespmem:$0x4080] =	vst v63  }
0x1f: {  	_ =	swait.ge [sflag:s9], $0x4000  }
.Ltmp0:
0x20: {  	[sflag:s9] =	ssyncset.done $0x0;
	(pc) =	sbr.rel @p0 .LBB2_2-.Ltmp0, $4  }
0x21: {  	[sflag:s9] =	ssyncadd.s32 $0xFFFFC000  }
0x22: {  	[hbm4b:s11+s3] =	stream.linear.scatter [tilespmem:s8], [sflag:$0x2], $0x4000, $0x38;
	[tilespmem:$0x4080] =	vst v63  }
0x23: {  	_ =	swait.ge [sflag:s7], $0x4000  }
0x24: {  	s13 =	smov.u32 s15;
	s11 =	sadd.s32 $0x800, s11;
	[sflag:s7] =	ssyncset.done $0x0  }
0x25: {  	s12 =	sadd.s32 s12, s6;
	[sflag:s7] =	ssyncadd.s32 $0xFFFFC000  }
0x26: {  	[tilespmem:s3], [sflag:$0x2] =	stream.linear.gather [hbm4b:s12+s3], $0x80, $0x38;
	[tilespmem:$0x4080] =	vst v63  }
0x27: {  	_ =	swait.ge [sflag:s7], $0x80  }
0x28: {  	[sflag:s7] =	ssyncset.done $0x0  }
0x29: {  	[sflag:s7] =	ssyncadd.s32 $0xFFFFFF80  }
0x2a: {  	[tilespmem:s8], [sflag:$0x1] =	stream.indirect.gather [hbm4b:s2+s8], $0x80, s3, s8, $0xb8;
	[tilespmem:$0x4080] =	vst v63  }
0x2b: {  	s10 =	sadd.s32 $0x1, s10;
	_ =	swait.ge [sflag:s9], $0x4000  }
0x2c: {  	p0 =	sne.s32 s10, s4;
	[sflag:s9] =	ssyncset.done $0x0  }
.Ltmp1:
0x2d: {  	[sflag:s9] =	ssyncadd.s32 $0xFFFFC000;
	(pc) =	sbr.rel @p0 .LBB2_1-.Ltmp1, $4  }
0x2e: {  	[hbm4b:s11+s3] =	stream.linear.scatter [tilespmem:s8], [sflag:$0x2], $0x4000, $0x38;
	[tilespmem:$0x4080] =	vst v63  }
0x2f: {  	_ =	swait.ge [sflag:s7], $0x4000  }
0x30: {  	[sflag:s7] =	ssyncset.done $0x0  }
0x31: {  	[sflag:s7] =	ssyncadd.s32 $0xFFFFC000  }
0x32: {  	_ =	sfence.sel $0x180000  }
0x33: {  	[bflag:$0x0] =	sbarrier.arrive $0xFFFF  }
0x34: {  	p0 =	sne.s32 s1, $0x0;
	_ =	strace $0x90000047  }
0x35: {  	s0 =	sadd.s32 @!p0 $0x100000, s0;
	[bflag:$0x2] =	sbarrier.arrive $0xFFFF  }
0x36: {  	[sflag:s0] =	ssyncadd.tile.s32 @!p0 $0x1;
	_ =	shalt  }
.Lfunc_end2:
_tile_overlayer_lowered:
.L_overlay_start_2:
0x37: {  	(tag) =	ssettag $0x2  }
0x38: {  	s0 =	rddreg [dreg:$0x0];
	s2 =	stileid.u32  }
0x39: {  	s1 =	rddreg [dreg:$0x1];
	p0 =	sne.s32 s2, $0x0  }
0x3a: {  	s3 =	rddreg [dreg:$0x2];
	[bflag:$0x3] =	sbarrier.arrive $0xFFFF;
	s2 =	simm.s32 @!p0 $0x1C02  }
0x3b: {  	[timem:s3], [sflag:s2] =	dma.local @!p0 [hbm:s0], s1  }
0x3c: {  	s0 =	simm.s32 @!p0 $0x2  }
0x3d: {  	_ =	swait.ge @!p0 [sflag:s0], s1  }
0x3e: {  	s1 =	ssub.s32 @!p0 $0x0, s1;
	[sflag:s0] =	ssyncset.done @!p0 $0x0  }
0x3f: {  	[sflag:s0] =	ssyncadd.s32 @!p0 s1  }
0x40: {  	[bflag:$0x3] =	sbarrier.arrive $0xFFFF  }
0x41: {  	_ =	shalt  }

</sc_bundles>
